<compile_context>
chip_gen: v7x
topology: tpu7x:2x2x1
jax: 0.10.2.dev20260603
libtpu: 0.0.44.dev20260713+nightly
codegen_flags: <defaults>
</compile_context>

<pallas_src>
import functools

import jax
import jax.numpy as jnp
from jax import lax
from jax.experimental import pallas as pl
from jax.experimental.pallas import tpu as pltpu
from jax.experimental.pallas import tpu_sc as plsc

N = 10000
E = 320000
IN_C = 128
HID = 64
OUT_C = 128

NC = 2
NS = 16
NW = NC * NS
EPW = E // NW
CHV = 125
CH = 128
NCHUNK = EPW // CHV
NPAD = 10240
SPT = NPAD // NS

RB = 2048
GRID = -(-N // RB)

def _mesh():
    return plsc.VectorSubcoreMesh(
        core_axis_name="c", subcore_axis_name="s", num_cores=NC, num_subcores=NS
    )


@functools.cache
def _make_sc_hist():
    @functools.partial(
        pl.kernel,
        out_type=jax.ShapeDtypeStruct((NW, 1, N), jnp.float32),
        mesh=_mesh(),
        compiler_params=pltpu.CompilerParams(
            needs_layout_passes=False, use_tc_tiling_on_sc=False
        ),
        scratch_types=[
            pltpu.VMEM((NCHUNK, CH), jnp.int32),
            pltpu.VMEM((NPAD,), jnp.float32),
        ],
    )
    def _sc_hist(e2d_hbm, zeros1_hbm, out_hbm, dstbuf, hist):
        w = lax.axis_index("s") * NC + lax.axis_index("c")
        pltpu.sync_copy(zeros1_hbm, hist)
        pltpu.sync_copy(e2d_hbm.at[1, w], dstbuf)
        ones = jnp.full((16,), 1.0, jnp.float32)

        def body(j, carry):
            for k in range(CH // 16):
                d = dstbuf[j, pl.ds(k * 16, 16)]
                plsc.addupdate_scatter(hist, [d], ones)
            return carry

        lax.fori_loop(0, NCHUNK, body, 0)
        pltpu.sync_copy(hist.at[pl.ds(0, N)], out_hbm.at[w, 0])

    return _sc_hist


@functools.cache
def _make_sc_agg():
    @functools.partial(
        pl.kernel,
        out_type=jax.ShapeDtypeStruct((NC, NPAD, HID), jnp.float32),
        mesh=_mesh(),
        compiler_params=pltpu.CompilerParams(
            needs_layout_passes=False, use_tc_tiling_on_sc=False
        ),
        scratch_types=[
            pltpu.VMEM((NCHUNK, CH), jnp.int32),
            pltpu.VMEM((NCHUNK, CH), jnp.int32),
            pltpu.VMEM((3, CH, HID), jnp.float32),
            pltpu.VMEM_SHARED((NPAD, HID), jnp.float32),
            pltpu.SemaphoreType.DMA((3,)),
            pltpu.SemaphoreType.DMA((3,)),
        ],
    )
    def _sc_agg(hp_hbm, e2d_hbm, zeros2_hbm, out_hbm, src_idx, dst_idx, rows, acc,
                gsem, ssem):
        c = lax.axis_index("c")
        s = lax.axis_index("s")
        w = s * NC + c
        pltpu.sync_copy(
            zeros2_hbm.at[pl.ds(s * SPT, SPT)],
            acc.at[pl.ds(s * SPT, SPT)],
        )
        pltpu.sync_copy(e2d_hbm.at[0, w], src_idx)
        pltpu.sync_copy(e2d_hbm.at[1, w], dst_idx)
        plsc.subcore_barrier()
        pltpu.async_copy(hp_hbm.at[src_idx.at[0]], rows.at[0], gsem.at[0])
        pltpu.async_copy(hp_hbm.at[src_idx.at[1]], rows.at[1], gsem.at[1])

        def body(j, carry):
            b = lax.rem(j, 3)
            pltpu.make_async_copy(hp_hbm.at[pl.ds(0, CH)], rows.at[b],
                                  gsem.at[b]).wait()

            @pl.when(j >= 1)
            def _():
                bp = lax.rem(j - 1, 3)
                pltpu.make_async_copy(rows.at[bp], acc.at[dst_idx.at[j - 1]],
                                      ssem.at[bp]).wait()

            pltpu.async_copy(rows.at[b], acc.at[dst_idx.at[j]], ssem.at[b],
                             add=True)

            @pl.when(j + 2 < NCHUNK)
            def _():
                b2 = lax.rem(j + 2, 3)
                pltpu.async_copy(hp_hbm.at[src_idx.at[j + 2]], rows.at[b2],
                                 gsem.at[b2])

            return carry

        lax.fori_loop(0, NCHUNK, body, 0)
        bl = (NCHUNK - 1) % 3
        pltpu.make_async_copy(rows.at[bl], acc.at[dst_idx.at[NCHUNK - 1]],
                              ssem.at[bl]).wait()
        plsc.subcore_barrier()
        pltpu.sync_copy(
            acc.at[pl.ds(s * SPT, SPT)],
            out_hbm.at[c, pl.ds(s * SPT, SPT)],
        )

    return _sc_agg


def _tc0_body(x_ref, w1_ref, h1_ref):
    h1_ref[...] = jnp.dot(x_ref[...], w1_ref[...],
                          preferred_element_type=jnp.float32)


def _tc0(x, W1):
    return pl.pallas_call(
        _tc0_body,
        grid=(GRID,),
        in_specs=[
            pl.BlockSpec((RB, IN_C), lambda i: (i, 0)),
            pl.BlockSpec((IN_C, HID), lambda i: (0, 0)),
        ],
        out_specs=pl.BlockSpec((RB, HID), lambda i: (i, 0)),
        out_shape=jax.ShapeDtypeStruct((N, HID), jnp.float32),
    )(x, W1)


def _tc1_body(h1_ref, hist_ref, h1p_ref, dis_ref):
    deg = 1.0 + jnp.sum(hist_ref[:, 0, :], axis=0)
    dis = lax.rsqrt(deg)[:, None]
    h1p_ref[...] = h1_ref[...] * dis
    dis_ref[...] = dis


def _tc1(h1, hist):
    return pl.pallas_call(
        _tc1_body,
        grid=(GRID,),
        in_specs=[
            pl.BlockSpec((RB, HID), lambda i: (i, 0)),
            pl.BlockSpec((NW, 1, RB), lambda i: (0, 0, i)),
        ],
        out_specs=[
            pl.BlockSpec((RB, HID), lambda i: (i, 0)),
            pl.BlockSpec((RB, 1), lambda i: (i, 0)),
        ],
        out_shape=[
            jax.ShapeDtypeStruct((N, HID), jnp.float32),
            jax.ShapeDtypeStruct((N, 1), jnp.float32),
        ],
    )(h1, hist)


def _tc2_body(p_ref, h1p_ref, dis_ref, b1_ref, hp_ref):
    t = p_ref[0] + p_ref[1] + h1p_ref[...]
    h = jnp.maximum(dis_ref[...] * t + b1_ref[...], 0.0)
    hp_ref[...] = h * dis_ref[...]


def _tc2(p, h1p, dis, b1):
    return pl.pallas_call(
        _tc2_body,
        grid=(GRID,),
        in_specs=[
            pl.BlockSpec((NC, RB, HID), lambda i: (0, i, 0)),
            pl.BlockSpec((RB, HID), lambda i: (i, 0)),
            pl.BlockSpec((RB, 1), lambda i: (i, 0)),
            pl.BlockSpec((1, HID), lambda i: (0, 0)),
        ],
        out_specs=pl.BlockSpec((RB, HID), lambda i: (i, 0)),
        out_shape=jax.ShapeDtypeStruct((N, HID), jnp.float32),
    )(p, h1p, dis, b1)


def _tc3_body(p_ref, hp_ref, dis_ref, w2_ref, b2_ref, out_ref):
    a2 = dis_ref[...] * (p_ref[0] + p_ref[1] + hp_ref[...])
    z = jnp.dot(a2, w2_ref[...], preferred_element_type=jnp.float32) + b2_ref[...]
    m = jnp.max(z, axis=1, keepdims=True)
    lse = jnp.log(jnp.sum(jnp.exp(z - m), axis=1, keepdims=True)) + m
    out_ref[...] = z - lse


def _tc3(p, hp, dis, W2, b2):
    return pl.pallas_call(
        _tc3_body,
        grid=(GRID,),
        in_specs=[
            pl.BlockSpec((NC, RB, HID), lambda i: (0, i, 0)),
            pl.BlockSpec((RB, HID), lambda i: (i, 0)),
            pl.BlockSpec((RB, 1), lambda i: (i, 0)),
            pl.BlockSpec((HID, OUT_C), lambda i: (0, 0)),
            pl.BlockSpec((1, OUT_C), lambda i: (0, 0)),
        ],
        out_specs=pl.BlockSpec((RB, OUT_C), lambda i: (i, 0)),
        out_shape=jax.ShapeDtypeStruct((N, OUT_C), jnp.float32),
    )(p, hp, dis, W2, b2)


def kernel(x, edge_index, W1, b1, W2, b2):
    e4 = edge_index.reshape(2, NW, NCHUNK, CHV)
    if CH > CHV:
        wcol = jnp.broadcast_to(jnp.arange(NW, dtype=jnp.int32)[:, None, None],
                                (NW, NCHUNK, CH - CHV))
        pad = jnp.stack([wcol, N + wcol])
        e2d = jnp.concatenate([e4, pad], axis=3)
    else:
        e2d = e4
    zeros1 = jnp.zeros((NPAD,), jnp.float32)
    zeros2 = jnp.zeros((NPAD, HID), jnp.float32)
    sc_hist, sc_agg = _make_sc_hist(), _make_sc_agg()
    hist = sc_hist(e2d, zeros1)
    h1 = _tc0(x, W1)
    h1p, dis = _tc1(h1, hist)
    p1 = sc_agg(h1p, e2d, zeros2)
    hp = _tc2(p1, h1p, dis, b1.reshape(1, HID))
    p2 = sc_agg(hp, e2d, zeros2)
    return _tc3(p2, hp, dis, W2, b2.reshape(1, OUT_C))

# --- scband reference (transcript-rebuilt; emitter-appended) ---
"""Pipeline reference for scband-gcnmodel-1391569404374 (READ-ONLY COPY).

The authoritative reference and input builder live on the scoring server;
editing this copy changes nothing except your own understanding.
"""

import jax, jax.numpy as jnp
import numpy as np

N = 10000
E = 320000
IN_C = 128
HID = 64
OUT_C = 128


def setup_inputs(seed: int = 0) -> dict:
    key = jax.random.key(seed)
    k1, k2, k3, k4, k5, k6 = jax.random.split(key, 6)
    x = jax.random.normal(k1, (N, IN_C), dtype=jnp.float32)
    edge_index = jax.random.randint(k2, (2, E), 0, N, dtype=jnp.int32)
    W1 = jax.random.normal(k3, (IN_C, HID), dtype=jnp.float32) * (1.0 / np.sqrt(IN_C))
    b1 = jnp.zeros((HID,), dtype=jnp.float32)
    W2 = jax.random.normal(k4, (HID, OUT_C), dtype=jnp.float32) * (1.0 / np.sqrt(HID))
    b2 = jnp.zeros((OUT_C,), dtype=jnp.float32)
    return {"x": x, "edge_index": edge_index, "W1": W1, "b1": b1, "W2": W2, "b2": b2}


def _gcn_conv(x, src, dst, norm, W, b):
    # linear transform then normalized scatter-add aggregation (PyG GCNConv)
    h = x @ W
    msg = jnp.take(h, src, axis=0) * norm[:, None]
    out = jnp.zeros((x.shape[0], W.shape[1]), dtype=x.dtype).at[dst].add(msg)
    return out + b


def reference(x, edge_index, W1, b1, W2, b2):
    n = x.shape[0]
    # add self loops
    loop = jnp.arange(n, dtype=edge_index.dtype)
    src = jnp.concatenate([edge_index[0], loop])
    dst = jnp.concatenate([edge_index[1], loop])
    # symmetric normalization: deg^{-1/2}[src] * deg^{-1/2}[dst]
    deg = jnp.zeros((n,), dtype=jnp.float32).at[dst].add(1.0)
    deg_inv_sqrt = jnp.where(deg > 0, jax.lax.rsqrt(jnp.maximum(deg, 1.0)), 0.0)
    norm = jnp.take(deg_inv_sqrt, src) * jnp.take(deg_inv_sqrt, dst)
    # layer 1 -> relu -> (dropout is identity in eval mode) -> layer 2
    h = _gcn_conv(x, src, dst, norm, W1, b1)
    h = jax.nn.relu(h)
    out = _gcn_conv(h, src, dst, norm, W2, b2)
    return jax.nn.log_softmax(out, axis=1)

if __name__ == "__main__":
    import jax
    _d = setup_inputs()
    print(jax.jit(kernel)(*tuple(_d.values())))

</pallas_src>

<mosaic_0001>
#map = affine_map<(d0, d1) -> (0, 0)>
#map1 = affine_map<(d0, d1) -> (0, 0, 0, 0)>
#map2 = affine_map<(d0, d1) -> (0, 0, 0)>
module attributes {stable_mosaic.version = 14 : i64} {
  func.func @_sc_agg(%arg0: i32, %arg1: i32, %arg2: memref<10000x64xf32, #tpu.memory_space<hbm>>, %arg3: memref<2x32x80x128xi32, #tpu.memory_space<hbm>>, %arg4: memref<10240x64xf32, #tpu.memory_space<hbm>>, %arg5: memref<2x10240x64xf32, #tpu.memory_space<hbm>>, %arg6: memref<80x128xi32, #tpu.memory_space<vmem>>, %arg7: memref<80x128xi32, #tpu.memory_space<vmem>>, %arg8: memref<3x128x64xf32, #tpu.memory_space<vmem>>, %arg9: memref<10240x64xf32, #tpu.memory_space<vmem_shared>>, %arg10: memref<3x!tpu.dma_semaphore, #tpu.memory_space<semaphore_mem>>, %arg11: memref<3x!tpu.dma_semaphore, #tpu.memory_space<semaphore_mem>>) attributes {dimension_semantics = [#tpu.dimension_semantics<core_parallel>, #tpu.dimension_semantics<subcore_parallel>], iteration_bounds = array<i64: 2, 16>, scalar_prefetch = 0 : i64, scratch_operands = 6 : i64, tpu.core_type = #tpu.core_type<sc_vector_subcore>, window_params = [{transform_indices = #map}, {transform_indices = #map1}, {transform_indices = #map}, {transform_indices = #map2}]} {
    %mul3A = arith.constant 2 : i32
    %mul3A_0 = arith.muli %arg1, %mul3A : i32
    %add3A = arith.addi %mul3A_0, %arg0 : i32
    %mul3A_1 = arith.constant 640 : i32
    %mul3A_2 = arith.muli %arg1, %mul3A_1 : i32
    %mul3A_3 = arith.constant 640 : i32
    %mul3A_4 = arith.muli %arg1, %mul3A_3 : i32
    "tpu.region"() ({
      %run_scoped3A_59 = tpu.sem_alloc : memref<!tpu.dma_semaphore, #tpu.memory_space<semaphore_mem>>
      %dma_start3A_60 = arith.constant 0 : i32
      %dma_start3A_61 = tpu.memref_slice %arg9[%mul3A_4, %dma_start3A_60] : memref<10240x64xf32, #tpu.memory_space<vmem_shared>> -> memref<640x64xf32, #tpu.memory_space<vmem_shared>>
      %dma_start3A_62 = arith.constant 0 : i32
      %dma_start3A_63 = tpu.memref_slice %arg4[%mul3A_2, %dma_start3A_62] : memref<10240x64xf32, #tpu.memory_space<hbm>> -> memref<640x64xf32, #tpu.memory_space<hbm>>
      tpu.enqueue_dma source(%dma_start3A_63 : memref<640x64xf32, #tpu.memory_space<hbm>>) target(%dma_start3A_61 : memref<640x64xf32, #tpu.memory_space<vmem_shared>>) target_semaphore(%run_scoped3A_59 : memref<!tpu.dma_semaphore, #tpu.memory_space<semaphore_mem>>)
      %dma_wait3A_64 = arith.constant 0 : i32
      %dma_wait3A_65 = tpu.memref_slice %arg9[%mul3A_4, %dma_wait3A_64] : memref<10240x64xf32, #tpu.memory_space<vmem_shared>> -> memref<640x64xf32, #tpu.memory_space<vmem_shared>>
      %dma_wait3A_66 = arith.constant 0 : i32
      %dma_wait3A_67 = tpu.memref_slice %arg4[%mul3A_2, %dma_wait3A_66] : memref<10240x64xf32, #tpu.memory_space<hbm>> -> memref<640x64xf32, #tpu.memory_space<hbm>>
      tpu.wait_dma2 semaphore(%run_scoped3A_59 : memref<!tpu.dma_semaphore, #tpu.memory_space<semaphore_mem>>) src(%dma_wait3A_67 : memref<640x64xf32, #tpu.memory_space<hbm>>) dst(%dma_wait3A_65 : memref<640x64xf32, #tpu.memory_space<vmem_shared>>)
      tpu.yield
    }) : () -> ()
    %run_scoped3A = arith.constant 0 : i32
    "tpu.region"() ({
      %run_scoped3A_59 = tpu.sem_alloc : memref<!tpu.dma_semaphore, #tpu.memory_space<semaphore_mem>>
      %dma_start3A_60 = arith.constant 0 : i32
      %dma_start3A_61 = arith.constant 0 : i32
      %dma_start3A_62 = tpu.memref_slice %arg3[%run_scoped3A, %add3A, %dma_start3A_60, %dma_start3A_61] : memref<2x32x80x128xi32, #tpu.memory_space<hbm>> -> memref<1x1x80x128xi32, #tpu.memory_space<hbm>>
      %dma_start3A_63 = tpu.memref_squeeze %dma_start3A_62 : memref<1x1x80x128xi32, #tpu.memory_space<hbm>> -> memref<80x128xi32, #tpu.memory_space<hbm>>
      %dma_start3A_64 = arith.constant 0 : i32
      %dma_start3A_65 = arith.constant 0 : i32
      %dma_start3A_66 = tpu.memref_slice %arg3[%run_scoped3A, %add3A, %dma_start3A_64, %dma_start3A_65] : memref<2x32x80x128xi32, #tpu.memory_space<hbm>> -> memref<1x1x80x128xi32, #tpu.memory_space<hbm>>
      %dma_start3A_67 = tpu.memref_squeeze %dma_start3A_66 : memref<1x1x80x128xi32, #tpu.memory_space<hbm>> -> memref<80x128xi32, #tpu.memory_space<hbm>>
      tpu.enqueue_dma source(%dma_start3A_67 : memref<80x128xi32, #tpu.memory_space<hbm>>) target(%arg6 : memref<80x128xi32, #tpu.memory_space<vmem>>) target_semaphore(%run_scoped3A_59 : memref<!tpu.dma_semaphore, #tpu.memory_space<semaphore_mem>>)
      %dma_wait3A_68 = arith.constant 0 : i32
      %dma_wait3A_69 = arith.constant 0 : i32
      %dma_wait3A_70 = tpu.memref_slice %arg3[%run_scoped3A, %add3A, %dma_wait3A_68, %dma_wait3A_69] : memref<2x32x80x128xi32, #tpu.memory_space<hbm>> -> memref<1x1x80x128xi32, #tpu.memory_space<hbm>>
      %dma_wait3A_71 = tpu.memref_squeeze %dma_wait3A_70 : memref<1x1x80x128xi32, #tpu.memory_space<hbm>> -> memref<80x128xi32, #tpu.memory_space<hbm>>
      %dma_wait3A_72 = arith.constant 0 : i32
      %dma_wait3A_73 = arith.constant 0 : i32
      %dma_wait3A_74 = tpu.memref_slice %arg3[%run_scoped3A, %add3A, %dma_wait3A_72, %dma_wait3A_73] : memref<2x32x80x128xi32, #tpu.memory_space<hbm>> -> memref<1x1x80x128xi32, #tpu.memory_space<hbm>>
      %dma_wait3A_75 = tpu.memref_squeeze %dma_wait3A_74 : memref<1x1x80x128xi32, #tpu.memory_space<hbm>> -> memref<80x128xi32, #tpu.memory_space<hbm>>
      tpu.wait_dma2 semaphore(%run_scoped3A_59 : memref<!tpu.dma_semaphore, #tpu.memory_space<semaphore_mem>>) src(%dma_wait3A_75 : memref<80x128xi32, #tpu.memory_space<hbm>>) dst(%arg6 : memref<80x128xi32, #tpu.memory_space<vmem>>)
      tpu.yield
    }) : () -> ()
    %run_scoped3A_5 = arith.constant 1 : i32
    "tpu.region"() ({
      %run_scoped3A_59 = tpu.sem_alloc : memref<!tpu.dma_semaphore, #tpu.memory_space<semaphore_mem>>
      %dma_start3A_60 = arith.constant 0 : i32
      %dma_start3A_61 = arith.constant 0 : i32
      %dma_start3A_62 = tpu.memref_slice %arg3[%run_scoped3A_5, %add3A, %dma_start3A_60, %dma_start3A_61] : memref<2x32x80x128xi32, #tpu.memory_space<hbm>> -> memref<1x1x80x128xi32, #tpu.memory_space<hbm>>
      %dma_start3A_63 = tpu.memref_squeeze %dma_start3A_62 : memref<1x1x80x128xi32, #tpu.memory_space<hbm>> -> memref<80x128xi32, #tpu.memory_space<hbm>>
      %dma_start3A_64 = arith.constant 0 : i32
      %dma_start3A_65 = arith.constant 0 : i32
      %dma_start3A_66 = tpu.memref_slice %arg3[%run_scoped3A_5, %add3A, %dma_start3A_64, %dma_start3A_65] : memref<2x32x80x128xi32, #tpu.memory_space<hbm>> -> memref<1x1x80x128xi32, #tpu.memory_space<hbm>>
      %dma_start3A_67 = tpu.memref_squeeze %dma_start3A_66 : memref<1x1x80x128xi32, #tpu.memory_space<hbm>> -> memref<80x128xi32, #tpu.memory_space<hbm>>
      tpu.enqueue_dma source(%dma_start3A_67 : memref<80x128xi32, #tpu.memory_space<hbm>>) target(%arg7 : memref<80x128xi32, #tpu.memory_space<vmem>>) target_semaphore(%run_scoped3A_59 : memref<!tpu.dma_semaphore, #tpu.memory_space<semaphore_mem>>)
      %dma_wait3A_68 = arith.constant 0 : i32
      %dma_wait3A_69 = arith.constant 0 : i32
      %dma_wait3A_70 = tpu.memref_slice %arg3[%run_scoped3A_5, %add3A, %dma_wait3A_68, %dma_wait3A_69] : memref<2x32x80x128xi32, #tpu.memory_space<hbm>> -> memref<1x1x80x128xi32, #tpu.memory_space<hbm>>
      %dma_wait3A_71 = tpu.memref_squeeze %dma_wait3A_70 : memref<1x1x80x128xi32, #tpu.memory_space<hbm>> -> memref<80x128xi32, #tpu.memory_space<hbm>>
      %dma_wait3A_72 = arith.constant 0 : i32
      %dma_wait3A_73 = arith.constant 0 : i32
      %dma_wait3A_74 = tpu.memref_slice %arg3[%run_scoped3A_5, %add3A, %dma_wait3A_72, %dma_wait3A_73] : memref<2x32x80x128xi32, #tpu.memory_space<hbm>> -> memref<1x1x80x128xi32, #tpu.memory_space<hbm>>
      %dma_wait3A_75 = tpu.memref_squeeze %dma_wait3A_74 : memref<1x1x80x128xi32, #tpu.memory_space<hbm>> -> memref<80x128xi32, #tpu.memory_space<hbm>>
      tpu.wait_dma2 semaphore(%run_scoped3A_59 : memref<!tpu.dma_semaphore, #tpu.memory_space<semaphore_mem>>) src(%dma_wait3A_75 : memref<80x128xi32, #tpu.memory_space<hbm>>) dst(%arg7 : memref<80x128xi32, #tpu.memory_space<vmem>>)
      tpu.yield
    }) : () -> ()
    %barrier3A = arith.constant 0 : index
    tpu.barrier barrier_id(%barrier3A)
    %dma_start3A = arith.constant 0 : i32
    %dma_start3A_6 = arith.constant 0 : i32
    %dma_start3A_7 = arith.constant 0 : i32
    %dma_start3A_8 = arith.constant 0 : i32
    %dma_start3A_9 = arith.constant 0 : i32
    %dma_start3A_10 = tpu.memref_slice %arg8[%dma_start3A_6, %dma_start3A_8, %dma_start3A_9] : memref<3x128x64xf32, #tpu.memory_space<vmem>> -> memref<1x128x64xf32, #tpu.memory_space<vmem>>
    %dma_start3A_11 = tpu.memref_squeeze %dma_start3A_10 : memref<1x128x64xf32, #tpu.memory_space<vmem>> -> memref<128x64xf32, #tpu.memory_space<vmem>>
    %dma_start3A_12 = arith.constant 0 : i32
    %dma_start3A_13 = tpu.memref_slice %arg6[%dma_start3A, %dma_start3A_12] : memref<80x128xi32, #tpu.memory_space<vmem>> -> memref<1x128xi32, #tpu.memory_space<vmem>>
    %dma_start3A_14 = tpu.memref_squeeze %dma_start3A_13 : memref<1x128xi32, #tpu.memory_space<vmem>> -> memref<128xi32, #tpu.memory_space<vmem>>
    %dma_start3A_15 = arith.constant 0 : i32
    %dma_start3A_16 = arith.constant 0 : i32
    %dma_start3A_17 = tpu.memref_slice %arg2[%dma_start3A_15, %dma_start3A_16] : memref<10000x64xf32, #tpu.memory_space<hbm>> -> memref<10000x64xf32, #tpu.memory_space<hbm>>
    %dma_start3A_18 = tpu.memref_slice %arg10[%dma_start3A_7] : memref<3x!tpu.dma_semaphore, #tpu.memory_space<semaphore_mem>> -> memref<1x!tpu.dma_semaphore, #tpu.memory_space<semaphore_mem>>
    %dma_start3A_19 = tpu.memref_squeeze %dma_start3A_18 : memref<1x!tpu.dma_semaphore, #tpu.memory_space<semaphore_mem>> -> memref<!tpu.dma_semaphore, #tpu.memory_space<semaphore_mem>>
    tpu.enqueue_indirect_dma source(%dma_start3A_17 : memref<10000x64xf32, #tpu.memory_space<hbm>>) target(%dma_start3A_11 : memref<128x64xf32, #tpu.memory_space<vmem>>) offsets(%dma_start3A_14 : memref<128xi32, #tpu.memory_space<vmem>>) semaphore(%dma_start3A_19 : memref<!tpu.dma_semaphore, #tpu.memory_space<semaphore_mem>>)
    %dma_start3A_20 = arith.constant 1 : i32
    %dma_start3A_21 = arith.constant 1 : i32
    %dma_start3A_22 = arith.constant 1 : i32
    %dma_start3A_23 = arith.constant 0 : i32
    %dma_start3A_24 = arith.constant 0 : i32
    %dma_start3A_25 = tpu.memref_slice %arg8[%dma_start3A_21, %dma_start3A_23, %dma_start3A_24] : memref<3x128x64xf32, #tpu.memory_space<vmem>> -> memref<1x128x64xf32, #tpu.memory_space<vmem>>
    %dma_start3A_26 = tpu.memref_squeeze %dma_start3A_25 : memref<1x128x64xf32, #tpu.memory_space<vmem>> -> memref<128x64xf32, #tpu.memory_space<vmem>>
    %dma_start3A_27 = arith.constant 0 : i32
    %dma_start3A_28 = tpu.memref_slice %arg6[%dma_start3A_20, %dma_start3A_27] : memref<80x128xi32, #tpu.memory_space<vmem>> -> memref<1x128xi32, #tpu.memory_space<vmem>>
    %dma_start3A_29 = tpu.memref_squeeze %dma_start3A_28 : memref<1x128xi32, #tpu.memory_space<vmem>> -> memref<128xi32, #tpu.memory_space<vmem>>
    %dma_start3A_30 = arith.constant 0 : i32
    %dma_start3A_31 = arith.constant 0 : i32
    %dma_start3A_32 = tpu.memref_slice %arg2[%dma_start3A_30, %dma_start3A_31] : memref<10000x64xf32, #tpu.memory_space<hbm>> -> memref<10000x64xf32, #tpu.memory_space<hbm>>
    %dma_start3A_33 = tpu.memref_slice %arg10[%dma_start3A_22] : memref<3x!tpu.dma_semaphore, #tpu.memory_space<semaphore_mem>> -> memref<1x!tpu.dma_semaphore, #tpu.memory_space<semaphore_mem>>
    %dma_start3A_34 = tpu.memref_squeeze %dma_start3A_33 : memref<1x!tpu.dma_semaphore, #tpu.memory_space<semaphore_mem>> -> memref<!tpu.dma_semaphore, #tpu.memory_space<semaphore_mem>>
    tpu.enqueue_indirect_dma source(%dma_start3A_32 : memref<10000x64xf32, #tpu.memory_space<hbm>>) target(%dma_start3A_26 : memref<128x64xf32, #tpu.memory_space<vmem>>) offsets(%dma_start3A_29 : memref<128xi32, #tpu.memory_space<vmem>>) semaphore(%dma_start3A_34 : memref<!tpu.dma_semaphore, #tpu.memory_space<semaphore_mem>>)
    %scan3A = arith.constant 0 : i32
    %scan3A_35 = arith.constant 0 : i32
    %scan3A_36 = arith.constant 80 : i32
    %scan3A_37 = arith.addi %scan3A_35, %scan3A_36 : i32
    %scan3A_38 = arith.constant 1 : i32
    scf.for %scan3A_59 = %scan3A_35 to %scan3A_37 step %scan3A_38  : i32 {
      %rem3A = arith.constant 3 : i32
      %rem3A_60 = arith.remsi %scan3A_59, %rem3A : i32
      %dma_wait3A_61 = arith.constant 0 : i32
      %dma_wait3A_62 = arith.constant 0 : i32
      %dma_wait3A_63 = tpu.memref_slice %arg8[%rem3A_60, %dma_wait3A_61, %dma_wait3A_62] : memref<3x128x64xf32, #tpu.memory_space<vmem>> -> memref<1x128x64xf32, #tpu.memory_space<vmem>>
      %dma_wait3A_64 = tpu.memref_squeeze %dma_wait3A_63 : memref<1x128x64xf32, #tpu.memory_space<vmem>> -> memref<128x64xf32, #tpu.memory_space<vmem>>
      %dma_wait3A_65 = arith.constant 0 : i32
      %dma_wait3A_66 = arith.constant 0 : i32
      %dma_wait3A_67 = tpu.memref_slice %arg2[%dma_wait3A_65, %dma_wait3A_66] : memref<10000x64xf32, #tpu.memory_space<hbm>> -> memref<128x64xf32, #tpu.memory_space<hbm>>
      %dma_wait3A_68 = tpu.memref_slice %arg10[%rem3A_60] : memref<3x!tpu.dma_semaphore, #tpu.memory_space<semaphore_mem>> -> memref<1x!tpu.dma_semaphore, #tpu.memory_space<semaphore_mem>>
      %dma_wait3A_69 = tpu.memref_squeeze %dma_wait3A_68 : memref<1x!tpu.dma_semaphore, #tpu.memory_space<semaphore_mem>> -> memref<!tpu.dma_semaphore, #tpu.memory_space<semaphore_mem>>
      %dma_wait3A_70 = arith.constant 0 : i32
      %dma_wait3A_71 = arith.constant 0 : i32
      %dma_wait3A_72 = tpu.memref_slice %arg8[%rem3A_60, %dma_wait3A_70, %dma_wait3A_71] : memref<3x128x64xf32, #tpu.memory_space<vmem>> -> memref<1x128x64xf32, #tpu.memory_space<vmem>>
      %dma_wait3A_73 = tpu.memref_squeeze %dma_wait3A_72 : memref<1x128x64xf32, #tpu.memory_space<vmem>> -> memref<128x64xf32, #tpu.memory_space<vmem>>
      %dma_wait3A_74 = arith.constant 0 : i32
      %dma_wait3A_75 = arith.constant 0 : i32
      %dma_wait3A_76 = tpu.memref_slice %arg2[%dma_wait3A_74, %dma_wait3A_75] : memref<10000x64xf32, #tpu.memory_space<hbm>> -> memref<128x64xf32, #tpu.memory_space<hbm>>
      tpu.wait_dma2 semaphore(%dma_wait3A_69 : memref<!tpu.dma_semaphore, #tpu.memory_space<semaphore_mem>>) src(%dma_wait3A_76 : memref<128x64xf32, #tpu.memory_space<hbm>>) dst(%dma_wait3A_73 : memref<128x64xf32, #tpu.memory_space<vmem>>)
      %ge3A = arith.constant 1 : i32
      %ge3A_77 = arith.cmpi sge, %scan3A_59, %ge3A : i32
      %convert_element_type3A = arith.extui %ge3A_77 : i1 to i32
      %cond3A = arith.constant 0 : i32
      %cond3A_78 = arith.cmpi ne, %convert_element_type3A, %cond3A : i32
      scf.if %cond3A_78 {
        %sub3A = arith.constant 1 : i32
        %sub3A_97 = arith.subi %scan3A_59, %sub3A : i32
        %rem3A_98 = arith.constant 3 : i32
        %rem3A_99 = arith.remsi %sub3A_97, %rem3A_98 : i32
        %sub3A_100 = arith.constant 1 : i32
        %sub3A_101 = arith.subi %scan3A_59, %sub3A_100 : i32
        %dma_wait3A_102 = arith.constant 0 : i32
        %dma_wait3A_103 = arith.constant 0 : i32
        %dma_wait3A_104 = tpu.memref_slice %arg8[%rem3A_99, %dma_wait3A_102, %dma_wait3A_103] : memref<3x128x64xf32, #tpu.memory_space<vmem>> -> memref<1x128x64xf32, #tpu.memory_space<vmem>>
        %dma_wait3A_105 = tpu.memref_squeeze %dma_wait3A_104 : memref<1x128x64xf32, #tpu.memory_space<vmem>> -> memref<128x64xf32, #tpu.memory_space<vmem>>
        %dma_wait3A_106 = arith.constant 0 : i32
        %dma_wait3A_107 = tpu.memref_slice %arg7[%sub3A_101, %dma_wait3A_106] : memref<80x128xi32, #tpu.memory_space<vmem>> -> memref<1x128xi32, #tpu.memory_space<vmem>>
        %dma_wait3A_108 = tpu.memref_squeeze %dma_wait3A_107 : memref<1x128xi32, #tpu.memory_space<vmem>> -> memref<128xi32, #tpu.memory_space<vmem>>
        %dma_wait3A_109 = arith.constant 0 : i32
        %dma_wait3A_110 = arith.constant 0 : i32
        %dma_wait3A_111 = tpu.memref_slice %arg9[%dma_wait3A_109, %dma_wait3A_110] : memref<10240x64xf32, #tpu.memory_space<vmem_shared>> -> memref<10240x64xf32, #tpu.memory_space<vmem_shared>>
        %dma_wait3A_112 = tpu.memref_slice %arg11[%rem3A_99] : memref<3x!tpu.dma_semaphore, #tpu.memory_space<semaphore_mem>> -> memref<1x!tpu.dma_semaphore, #tpu.memory_space<semaphore_mem>>
        %dma_wait3A_113 = tpu.memref_squeeze %dma_wait3A_112 : memref<1x!tpu.dma_semaphore, #tpu.memory_space<semaphore_mem>> -> memref<!tpu.dma_semaphore, #tpu.memory_space<semaphore_mem>>
        tpu.wait_indirect_dma semaphore(%dma_wait3A_113 : memref<!tpu.dma_semaphore, #tpu.memory_space<semaphore_mem>>) src(%dma_wait3A_105 : memref<128x64xf32, #tpu.memory_space<vmem>>) dst(%dma_wait3A_111 : memref<10240x64xf32, #tpu.memory_space<vmem_shared>>)
      } else {
      }
      %dma_start3A_79 = arith.constant 0 : i32
      %dma_start3A_80 = arith.constant 0 : i32
      %dma_start3A_81 = tpu.memref_slice %arg8[%rem3A_60, %dma_start3A_79, %dma_start3A_80] : memref<3x128x64xf32, #tpu.memory_space<vmem>> -> memref<1x128x64xf32, #tpu.memory_space<vmem>>
      %dma_start3A_82 = tpu.memref_squeeze %dma_start3A_81 : memref<1x128x64xf32, #tpu.memory_space<vmem>> -> memref<128x64xf32, #tpu.memory_space<vmem>>
      %dma_start3A_83 = arith.constant 0 : i32
      %dma_start3A_84 = tpu.memref_slice %arg7[%scan3A_59, %dma_start3A_83] : memref<80x128xi32, #tpu.memory_space<vmem>> -> memref<1x128xi32, #tpu.memory_space<vmem>>
      %dma_start3A_85 = tpu.memref_squeeze %dma_start3A_84 : memref<1x128xi32, #tpu.memory_space<vmem>> -> memref<128xi32, #tpu.memory_space<vmem>>
      %dma_start3A_86 = arith.constant 0 : i32
      %dma_start3A_87 = arith.constant 0 : i32
      %dma_start3A_88 = tpu.memref_slice %arg9[%dma_start3A_86, %dma_start3A_87] : memref<10240x64xf32, #tpu.memory_space<vmem_shared>> -> memref<10240x64xf32, #tpu.memory_space<vmem_shared>>
      %dma_start3A_89 = tpu.memref_slice %arg11[%rem3A_60] : memref<3x!tpu.dma_semaphore, #tpu.memory_space<semaphore_mem>> -> memref<1x!tpu.dma_semaphore, #tpu.memory_space<semaphore_mem>>
      %dma_start3A_90 = tpu.memref_squeeze %dma_start3A_89 : memref<1x!tpu.dma_semaphore, #tpu.memory_space<semaphore_mem>> -> memref<!tpu.dma_semaphore, #tpu.memory_space<semaphore_mem>>
      tpu.enqueue_indirect_dma source(%dma_start3A_82 : memref<128x64xf32, #tpu.memory_space<vmem>>) target(%dma_start3A_88 : memref<10240x64xf32, #tpu.memory_space<vmem_shared>>) offsets(%dma_start3A_85 : memref<128xi32, #tpu.memory_space<vmem>>) semaphore(%dma_start3A_90 : memref<!tpu.dma_semaphore, #tpu.memory_space<semaphore_mem>>) {add = true}
      %add3A_91 = arith.constant 2 : i32
      %add3A_92 = arith.addi %scan3A_59, %add3A_91 : i32
      %lt3A = arith.constant 80 : i32
      %lt3A_93 = arith.cmpi slt, %add3A_92, %lt3A : i32
      %convert_element_type3A_94 = arith.extui %lt3A_93 : i1 to i32
      %cond3A_95 = arith.constant 0 : i32
      %cond3A_96 = arith.cmpi ne, %convert_element_type3A_94, %cond3A_95 : i32
      scf.if %cond3A_96 {
        %add3A_97 = arith.constant 2 : i32
        %add3A_98 = arith.addi %scan3A_59, %add3A_97 : i32
        %rem3A_99 = arith.constant 3 : i32
        %rem3A_100 = arith.remsi %add3A_98, %rem3A_99 : i32
        %add3A_101 = arith.constant 2 : i32
        %add3A_102 = arith.addi %scan3A_59, %add3A_101 : i32
        %dma_start3A_103 = arith.constant 0 : i32
        %dma_start3A_104 = arith.constant 0 : i32
        %dma_start3A_105 = tpu.memref_slice %arg8[%rem3A_100, %dma_start3A_103, %dma_start3A_104] : memref<3x128x64xf32, #tpu.memory_space<vmem>> -> memref<1x128x64xf32, #tpu.memory_space<vmem>>
        %dma_start3A_106 = tpu.memref_squeeze %dma_start3A_105 : memref<1x128x64xf32, #tpu.memory_space<vmem>> -> memref<128x64xf32, #tpu.memory_space<vmem>>
        %dma_start3A_107 = arith.constant 0 : i32
        %dma_start3A_108 = tpu.memref_slice %arg6[%add3A_102, %dma_start3A_107] : memref<80x128xi32, #tpu.memory_space<vmem>> -> memref<1x128xi32, #tpu.memory_space<vmem>>
        %dma_start3A_109 = tpu.memref_squeeze %dma_start3A_108 : memref<1x128xi32, #tpu.memory_space<vmem>> -> memref<128xi32, #tpu.memory_space<vmem>>
        %dma_start3A_110 = arith.constant 0 : i32
        %dma_start3A_111 = arith.constant 0 : i32
        %dma_start3A_112 = tpu.memref_slice %arg2[%dma_start3A_110, %dma_start3A_111] : memref<10000x64xf32, #tpu.memory_space<hbm>> -> memref<10000x64xf32, #tpu.memory_space<hbm>>
        %dma_start3A_113 = tpu.memref_slice %arg10[%rem3A_100] : memref<3x!tpu.dma_semaphore, #tpu.memory_space<semaphore_mem>> -> memref<1x!tpu.dma_semaphore, #tpu.memory_space<semaphore_mem>>
        %dma_start3A_114 = tpu.memref_squeeze %dma_start3A_113 : memref<1x!tpu.dma_semaphore, #tpu.memory_space<semaphore_mem>> -> memref<!tpu.dma_semaphore, #tpu.memory_space<semaphore_mem>>
        tpu.enqueue_indirect_dma source(%dma_start3A_112 : memref<10000x64xf32, #tpu.memory_space<hbm>>) target(%dma_start3A_106 : memref<128x64xf32, #tpu.memory_space<vmem>>) offsets(%dma_start3A_109 : memref<128xi32, #tpu.memory_space<vmem>>) semaphore(%dma_start3A_114 : memref<!tpu.dma_semaphore, #tpu.memory_space<semaphore_mem>>)
      } else {
      }
    }
    %scan3A_39 = arith.constant 80 : i32
    %dma_wait3A = arith.constant 1 : i32
    %dma_wait3A_40 = arith.constant 79 : i32
    %dma_wait3A_41 = arith.constant 1 : i32
    %dma_wait3A_42 = arith.constant 0 : i32
    %dma_wait3A_43 = arith.constant 0 : i32
    %dma_wait3A_44 = tpu.memref_slice %arg8[%dma_wait3A, %dma_wait3A_42, %dma_wait3A_43] : memref<3x128x64xf32, #tpu.memory_space<vmem>> -> memref<1x128x64xf32, #tpu.memory_space<vmem>>
    %dma_wait3A_45 = tpu.memref_squeeze %dma_wait3A_44 : memref<1x128x64xf32, #tpu.memory_space<vmem>> -> memref<128x64xf32, #tpu.memory_space<vmem>>
    %dma_wait3A_46 = arith.constant 0 : i32
    %dma_wait3A_47 = tpu.memref_slice %arg7[%dma_wait3A_40, %dma_wait3A_46] : memref<80x128xi32, #tpu.memory_space<vmem>> -> memref<1x128xi32, #tpu.memory_space<vmem>>
    %dma_wait3A_48 = tpu.memref_squeeze %dma_wait3A_47 : memref<1x128xi32, #tpu.memory_space<vmem>> -> memref<128xi32, #tpu.memory_space<vmem>>
    %dma_wait3A_49 = arith.constant 0 : i32
    %dma_wait3A_50 = arith.constant 0 : i32
    %dma_wait3A_51 = tpu.memref_slice %arg9[%dma_wait3A_49, %dma_wait3A_50] : memref<10240x64xf32, #tpu.memory_space<vmem_shared>> -> memref<10240x64xf32, #tpu.memory_space<vmem_shared>>
    %dma_wait3A_52 = tpu.memref_slice %arg11[%dma_wait3A_41] : memref<3x!tpu.dma_semaphore, #tpu.memory_space<semaphore_mem>> -> memref<1x!tpu.dma_semaphore, #tpu.memory_space<semaphore_mem>>
    %dma_wait3A_53 = tpu.memref_squeeze %dma_wait3A_52 : memref<1x!tpu.dma_semaphore, #tpu.memory_space<semaphore_mem>> -> memref<!tpu.dma_semaphore, #tpu.memory_space<semaphore_mem>>
    tpu.wait_indirect_dma semaphore(%dma_wait3A_53 : memref<!tpu.dma_semaphore, #tpu.memory_space<semaphore_mem>>) src(%dma_wait3A_45 : memref<128x64xf32, #tpu.memory_space<vmem>>) dst(%dma_wait3A_51 : memref<10240x64xf32, #tpu.memory_space<vmem_shared>>)
    %barrier3A_54 = arith.constant 0 : index
    tpu.barrier barrier_id(%barrier3A_54)
    %mul3A_55 = arith.constant 640 : i32
    %mul3A_56 = arith.muli %arg1, %mul3A_55 : i32
    %mul3A_57 = arith.constant 640 : i32
    %mul3A_58 = arith.muli %arg1, %mul3A_57 : i32
    "tpu.region"() ({
      %run_scoped3A_59 = tpu.sem_alloc : memref<!tpu.dma_semaphore, #tpu.memory_space<semaphore_mem>>
      %dma_start3A_60 = arith.constant 0 : i32
      %dma_start3A_61 = tpu.memref_slice %arg5[%arg0, %mul3A_58, %dma_start3A_60] : memref<2x10240x64xf32, #tpu.memory_space<hbm>> -> memref<1x640x64xf32, #tpu.memory_space<hbm>>
      %dma_start3A_62 = tpu.memref_squeeze %dma_start3A_61 : memref<1x640x64xf32, #tpu.memory_space<hbm>> -> memref<640x64xf32, #tpu.memory_space<hbm>>
      %dma_start3A_63 = arith.constant 0 : i32
      %dma_start3A_64 = tpu.memref_slice %arg9[%mul3A_56, %dma_start3A_63] : memref<10240x64xf32, #tpu.memory_space<vmem_shared>> -> memref<640x64xf32, #tpu.memory_space<vmem_shared>>
      tpu.enqueue_dma source(%dma_start3A_64 : memref<640x64xf32, #tpu.memory_space<vmem_shared>>) target(%dma_start3A_62 : memref<640x64xf32, #tpu.memory_space<hbm>>) target_semaphore(%run_scoped3A_59 : memref<!tpu.dma_semaphore, #tpu.memory_space<semaphore_mem>>)
      %dma_wait3A_65 = arith.constant 0 : i32
      %dma_wait3A_66 = tpu.memref_slice %arg5[%arg0, %mul3A_58, %dma_wait3A_65] : memref<2x10240x64xf32, #tpu.memory_space<hbm>> -> memref<1x640x64xf32, #tpu.memory_space<hbm>>
      %dma_wait3A_67 = tpu.memref_squeeze %dma_wait3A_66 : memref<1x640x64xf32, #tpu.memory_space<hbm>> -> memref<640x64xf32, #tpu.memory_space<hbm>>
      %dma_wait3A_68 = arith.constant 0 : i32
      %dma_wait3A_69 = tpu.memref_slice %arg9[%mul3A_56, %dma_wait3A_68] : memref<10240x64xf32, #tpu.memory_space<vmem_shared>> -> memref<640x64xf32, #tpu.memory_space<vmem_shared>>
      tpu.wait_dma2 semaphore(%run_scoped3A_59 : memref<!tpu.dma_semaphore, #tpu.memory_space<semaphore_mem>>) src(%dma_wait3A_69 : memref<640x64xf32, #tpu.memory_space<vmem_shared>>) dst(%dma_wait3A_67 : memref<640x64xf32, #tpu.memory_space<hbm>>)
      tpu.yield
    }) : () -> ()
    return
  }
}

#map = affine_map<(d0, d1) -> (0, 0, 0, 0)>
#map1 = affine_map<(d0, d1) -> (0)>
#map2 = affine_map<(d0, d1) -> (0, 0, 0)>
module attributes {stable_mosaic.version = 14 : i64} {
  func.func @_sc_hist(%arg0: i32, %arg1: i32, %arg2: memref<2x32x80x128xi32, #tpu.memory_space<hbm>>, %arg3: memref<10240xf32, #tpu.memory_space<hbm>>, %arg4: memref<32x1x10000xf32, #tpu.memory_space<hbm>>, %arg5: memref<80x128xi32, #tpu.memory_space<vmem>>, %arg6: memref<10240xf32, #tpu.memory_space<vmem>>) attributes {dimension_semantics = [#tpu.dimension_semantics<core_parallel>, #tpu.dimension_semantics<subcore_parallel>], iteration_bounds = array<i64: 2, 16>, scalar_prefetch = 0 : i64, scratch_operands = 2 : i64, tpu.core_type = #tpu.core_type<sc_vector_subcore>, window_params = [{transform_indices = #map}, {transform_indices = #map1}, {transform_indices = #map2}]} {
    %mul3A = arith.constant 2 : i32
    %mul3A_0 = arith.muli %arg1, %mul3A : i32
    %add3A = arith.addi %mul3A_0, %arg0 : i32
    "tpu.region"() ({
      %run_scoped3A_8 = tpu.sem_alloc : memref<!tpu.dma_semaphore, #tpu.memory_space<semaphore_mem>>
      tpu.enqueue_dma source(%arg3 : memref<10240xf32, #tpu.memory_space<hbm>>) target(%arg6 : memref<10240xf32, #tpu.memory_space<vmem>>) target_semaphore(%run_scoped3A_8 : memref<!tpu.dma_semaphore, #tpu.memory_space<semaphore_mem>>)
      tpu.wait_dma2 semaphore(%run_scoped3A_8 : memref<!tpu.dma_semaphore, #tpu.memory_space<semaphore_mem>>) src(%arg3 : memref<10240xf32, #tpu.memory_space<hbm>>) dst(%arg6 : memref<10240xf32, #tpu.memory_space<vmem>>)
      tpu.yield
    }) : () -> ()
    %run_scoped3A = arith.constant 1 : i32
    "tpu.region"() ({
      %run_scoped3A_8 = tpu.sem_alloc : memref<!tpu.dma_semaphore, #tpu.memory_space<semaphore_mem>>
      %dma_start3A = arith.constant 0 : i32
      %dma_start3A_9 = arith.constant 0 : i32
      %dma_start3A_10 = tpu.memref_slice %arg2[%run_scoped3A, %add3A, %dma_start3A, %dma_start3A_9] : memref<2x32x80x128xi32, #tpu.memory_space<hbm>> -> memref<1x1x80x128xi32, #tpu.memory_space<hbm>>
      %dma_start3A_11 = tpu.memref_squeeze %dma_start3A_10 : memref<1x1x80x128xi32, #tpu.memory_space<hbm>> -> memref<80x128xi32, #tpu.memory_space<hbm>>
      %dma_start3A_12 = arith.constant 0 : i32
      %dma_start3A_13 = arith.constant 0 : i32
      %dma_start3A_14 = tpu.memref_slice %arg2[%run_scoped3A, %add3A, %dma_start3A_12, %dma_start3A_13] : memref<2x32x80x128xi32, #tpu.memory_space<hbm>> -> memref<1x1x80x128xi32, #tpu.memory_space<hbm>>
      %dma_start3A_15 = tpu.memref_squeeze %dma_start3A_14 : memref<1x1x80x128xi32, #tpu.memory_space<hbm>> -> memref<80x128xi32, #tpu.memory_space<hbm>>
      tpu.enqueue_dma source(%dma_start3A_15 : memref<80x128xi32, #tpu.memory_space<hbm>>) target(%arg5 : memref<80x128xi32, #tpu.memory_space<vmem>>) target_semaphore(%run_scoped3A_8 : memref<!tpu.dma_semaphore, #tpu.memory_space<semaphore_mem>>)
      %dma_wait3A = arith.constant 0 : i32
      %dma_wait3A_16 = arith.constant 0 : i32
      %dma_wait3A_17 = tpu.memref_slice %arg2[%run_scoped3A, %add3A, %dma_wait3A, %dma_wait3A_16] : memref<2x32x80x128xi32, #tpu.memory_space<hbm>> -> memref<1x1x80x128xi32, #tpu.memory_space<hbm>>
      %dma_wait3A_18 = tpu.memref_squeeze %dma_wait3A_17 : memref<1x1x80x128xi32, #tpu.memory_space<hbm>> -> memref<80x128xi32, #tpu.memory_space<hbm>>
      %dma_wait3A_19 = arith.constant 0 : i32
      %dma_wait3A_20 = arith.constant 0 : i32
      %dma_wait3A_21 = tpu.memref_slice %arg2[%run_scoped3A, %add3A, %dma_wait3A_19, %dma_wait3A_20] : memref<2x32x80x128xi32, #tpu.memory_space<hbm>> -> memref<1x1x80x128xi32, #tpu.memory_space<hbm>>
      %dma_wait3A_22 = tpu.memref_squeeze %dma_wait3A_21 : memref<1x1x80x128xi32, #tpu.memory_space<hbm>> -> memref<80x128xi32, #tpu.memory_space<hbm>>
      tpu.wait_dma2 semaphore(%run_scoped3A_8 : memref<!tpu.dma_semaphore, #tpu.memory_space<semaphore_mem>>) src(%dma_wait3A_22 : memref<80x128xi32, #tpu.memory_space<hbm>>) dst(%arg5 : memref<80x128xi32, #tpu.memory_space<vmem>>)
      tpu.yield
    }) : () -> ()
    %broadcast_in_dim3A = arith.constant 1.000000e+00 : f32
    %broadcast_in_dim3A_1 = vector.broadcast %broadcast_in_dim3A : f32 to vector<16xf32>
    %scan3A = arith.constant 0 : i32
    %scan3A_2 = arith.constant 0 : i32
    %scan3A_3 = arith.constant 80 : i32
    %scan3A_4 = arith.addi %scan3A_2, %scan3A_3 : i32
    %scan3A_5 = arith.constant 1 : i32
    scf.for %scan3A_8 = %scan3A_2 to %scan3A_4 step %scan3A_5  : i32 {
      %get3A = arith.index_cast %scan3A_8 : i32 to index
      %get3A_9 = arith.constant 0 : index
      %get3A_10 = tpu.vector_load %arg5[%get3A, %get3A_9] {strides = array<i32>} : memref<80x128xi32, #tpu.memory_space<vmem>>, vector<16xi32>,
      tpu.vector_store_idx %arg6[%get3A_10], %broadcast_in_dim3A_1 {add = true} : memref<10240xf32, #tpu.memory_space<vmem>>[vector<16xi32>], vector<16xf32>,
      %get3A_11 = arith.index_cast %scan3A_8 : i32 to index
      %get3A_12 = arith.constant 16 : index
      %get3A_13 = tpu.vector_load %arg5[%get3A_11, %get3A_12] {strides = array<i32>} : memref<80x128xi32, #tpu.memory_space<vmem>>, vector<16xi32>,
      tpu.vector_store_idx %arg6[%get3A_13], %broadcast_in_dim3A_1 {add = true} : memref<10240xf32, #tpu.memory_space<vmem>>[vector<16xi32>], vector<16xf32>,
      %get3A_14 = arith.index_cast %scan3A_8 : i32 to index
      %get3A_15 = arith.constant 32 : index
      %get3A_16 = tpu.vector_load %arg5[%get3A_14, %get3A_15] {strides = array<i32>} : memref<80x128xi32, #tpu.memory_space<vmem>>, vector<16xi32>,
      tpu.vector_store_idx %arg6[%get3A_16], %broadcast_in_dim3A_1 {add = true} : memref<10240xf32, #tpu.memory_space<vmem>>[vector<16xi32>], vector<16xf32>,
      %get3A_17 = arith.index_cast %scan3A_8 : i32 to index
      %get3A_18 = arith.constant 48 : index
      %get3A_19 = tpu.vector_load %arg5[%get3A_17, %get3A_18] {strides = array<i32>} : memref<80x128xi32, #tpu.memory_space<vmem>>, vector<16xi32>,
      tpu.vector_store_idx %arg6[%get3A_19], %broadcast_in_dim3A_1 {add = true} : memref<10240xf32, #tpu.memory_space<vmem>>[vector<16xi32>], vector<16xf32>,
      %get3A_20 = arith.index_cast %scan3A_8 : i32 to index
      %get3A_21 = arith.constant 64 : index
      %get3A_22 = tpu.vector_load %arg5[%get3A_20, %get3A_21] {strides = array<i32>} : memref<80x128xi32, #tpu.memory_space<vmem>>, vector<16xi32>,
      tpu.vector_store_idx %arg6[%get3A_22], %broadcast_in_dim3A_1 {add = true} : memref<10240xf32, #tpu.memory_space<vmem>>[vector<16xi32>], vector<16xf32>,
      %get3A_23 = arith.index_cast %scan3A_8 : i32 to index
      %get3A_24 = arith.constant 80 : index
      %get3A_25 = tpu.vector_load %arg5[%get3A_23, %get3A_24] {strides = array<i32>} : memref<80x128xi32, #tpu.memory_space<vmem>>, vector<16xi32>,
      tpu.vector_store_idx %arg6[%get3A_25], %broadcast_in_dim3A_1 {add = true} : memref<10240xf32, #tpu.memory_space<vmem>>[vector<16xi32>], vector<16xf32>,
      %get3A_26 = arith.index_cast %scan3A_8 : i32 to index
      %get3A_27 = arith.constant 96 : index
      %get3A_28 = tpu.vector_load %arg5[%get3A_26, %get3A_27] {strides = array<i32>} : memref<80x128xi32, #tpu.memory_space<vmem>>, vector<16xi32>,
      tpu.vector_store_idx %arg6[%get3A_28], %broadcast_in_dim3A_1 {add = true} : memref<10240xf32, #tpu.memory_space<vmem>>[vector<16xi32>], vector<16xf32>,
      %get3A_29 = arith.index_cast %scan3A_8 : i32 to index
      %get3A_30 = arith.constant 112 : index
      %get3A_31 = tpu.vector_load %arg5[%get3A_29, %get3A_30] {strides = array<i32>} : memref<80x128xi32, #tpu.memory_space<vmem>>, vector<16xi32>,
      tpu.vector_store_idx %arg6[%get3A_31], %broadcast_in_dim3A_1 {add = true} : memref<10240xf32, #tpu.memory_space<vmem>>[vector<16xi32>], vector<16xf32>,
    }
    %scan3A_6 = arith.constant 80 : i32
    %run_scoped3A_7 = arith.constant 0 : i32
    "tpu.region"() ({
      %run_scoped3A_8 = tpu.sem_alloc : memref<!tpu.dma_semaphore, #tpu.memory_space<semaphore_mem>>
      %dma_start3A = arith.constant 0 : i32
      %dma_start3A_9 = tpu.memref_slice %arg6[%dma_start3A] : memref<10240xf32, #tpu.memory_space<vmem>> -> memref<10000xf32, #tpu.memory_space<vmem>>
      %dma_start3A_10 = arith.constant 0 : i32
      %dma_start3A_11 = tpu.memref_slice %arg4[%add3A, %run_scoped3A_7, %dma_start3A_10] : memref<32x1x10000xf32, #tpu.memory_space<hbm>> -> memref<1x1x10000xf32, #tpu.memory_space<hbm>>
      %dma_start3A_12 = tpu.memref_squeeze %dma_start3A_11 : memref<1x1x10000xf32, #tpu.memory_space<hbm>> -> memref<10000xf32, #tpu.memory_space<hbm>>
      %dma_start3A_13 = arith.constant 0 : i32
      %dma_start3A_14 = tpu.memref_slice %arg4[%add3A, %run_scoped3A_7, %dma_start3A_13] : memref<32x1x10000xf32, #tpu.memory_space<hbm>> -> memref<1x1x10000xf32, #tpu.memory_space<hbm>>
      %dma_start3A_15 = tpu.memref_squeeze %dma_start3A_14 : memref<1x1x10000xf32, #tpu.memory_space<hbm>> -> memref<10000xf32, #tpu.memory_space<hbm>>
      %dma_start3A_16 = arith.constant 0 : i32
      %dma_start3A_17 = tpu.memref_slice %arg6[%dma_start3A_16] : memref<10240xf32, #tpu.memory_space<vmem>> -> memref<10000xf32, #tpu.memory_space<vmem>>
      tpu.enqueue_dma source(%dma_start3A_17 : memref<10000xf32, #tpu.memory_space<vmem>>) target(%dma_start3A_15 : memref<10000xf32, #tpu.memory_space<hbm>>) target_semaphore(%run_scoped3A_8 : memref<!tpu.dma_semaphore, #tpu.memory_space<semaphore_mem>>)
      %dma_wait3A = arith.constant 0 : i32
      %dma_wait3A_18 = tpu.memref_slice %arg6[%dma_wait3A] : memref<10240xf32, #tpu.memory_space<vmem>> -> memref<10000xf32, #tpu.memory_space<vmem>>
      %dma_wait3A_19 = arith.constant 0 : i32
      %dma_wait3A_20 = tpu.memref_slice %arg4[%add3A, %run_scoped3A_7, %dma_wait3A_19] : memref<32x1x10000xf32, #tpu.memory_space<hbm>> -> memref<1x1x10000xf32, #tpu.memory_space<hbm>>
      %dma_wait3A_21 = tpu.memref_squeeze %dma_wait3A_20 : memref<1x1x10000xf32, #tpu.memory_space<hbm>> -> memref<10000xf32, #tpu.memory_space<hbm>>
      %dma_wait3A_22 = arith.constant 0 : i32
      %dma_wait3A_23 = tpu.memref_slice %arg4[%add3A, %run_scoped3A_7, %dma_wait3A_22] : memref<32x1x10000xf32, #tpu.memory_space<hbm>> -> memref<1x1x10000xf32, #tpu.memory_space<hbm>>
      %dma_wait3A_24 = tpu.memref_squeeze %dma_wait3A_23 : memref<1x1x10000xf32, #tpu.memory_space<hbm>> -> memref<10000xf32, #tpu.memory_space<hbm>>
      %dma_wait3A_25 = arith.constant 0 : i32
      %dma_wait3A_26 = tpu.memref_slice %arg6[%dma_wait3A_25] : memref<10240xf32, #tpu.memory_space<vmem>> -> memref<10000xf32, #tpu.memory_space<vmem>>
      tpu.wait_dma2 semaphore(%run_scoped3A_8 : memref<!tpu.dma_semaphore, #tpu.memory_space<semaphore_mem>>) src(%dma_wait3A_26 : memref<10000xf32, #tpu.memory_space<vmem>>) dst(%dma_wait3A_24 : memref<10000xf32, #tpu.memory_space<hbm>>)
      tpu.yield
    }) : () -> ()
    return
  }
}

#map = affine_map<(d0, d1) -> (0, 0)>
#map1 = affine_map<(d0, d1) -> (0, 0, 0, 0)>
#map2 = affine_map<(d0, d1) -> (0, 0, 0)>
module attributes {stable_mosaic.version = 14 : i64} {
  func.func @_sc_agg(%arg0: i32, %arg1: i32, %arg2: memref<10000x64xf32, #tpu.memory_space<hbm>>, %arg3: memref<2x32x80x128xi32, #tpu.memory_space<hbm>>, %arg4: memref<10240x64xf32, #tpu.memory_space<hbm>>, %arg5: memref<2x10240x64xf32, #tpu.memory_space<hbm>>, %arg6: memref<80x128xi32, #tpu.memory_space<vmem>>, %arg7: memref<80x128xi32, #tpu.memory_space<vmem>>, %arg8: memref<3x128x64xf32, #tpu.memory_space<vmem>>, %arg9: memref<10240x64xf32, #tpu.memory_space<vmem_shared>>, %arg10: memref<3x!tpu.dma_semaphore, #tpu.memory_space<semaphore_mem>>, %arg11: memref<3x!tpu.dma_semaphore, #tpu.memory_space<semaphore_mem>>) attributes {dimension_semantics = [#tpu.dimension_semantics<core_parallel>, #tpu.dimension_semantics<subcore_parallel>], iteration_bounds = array<i64: 2, 16>, scalar_prefetch = 0 : i64, scratch_operands = 6 : i64, tpu.core_type = #tpu.core_type<sc_vector_subcore>, window_params = [{transform_indices = #map}, {transform_indices = #map1}, {transform_indices = #map}, {transform_indices = #map2}]} {
    %mul3A = arith.constant 2 : i32
    %mul3A_0 = arith.muli %arg1, %mul3A : i32
    %add3A = arith.addi %mul3A_0, %arg0 : i32
    %mul3A_1 = arith.constant 640 : i32
    %mul3A_2 = arith.muli %arg1, %mul3A_1 : i32
    %mul3A_3 = arith.constant 640 : i32
    %mul3A_4 = arith.muli %arg1, %mul3A_3 : i32
    "tpu.region"() ({
      %run_scoped3A_59 = tpu.sem_alloc : memref<!tpu.dma_semaphore, #tpu.memory_space<semaphore_mem>>
      %dma_start3A_60 = arith.constant 0 : i32
      %dma_start3A_61 = tpu.memref_slice %arg9[%mul3A_4, %dma_start3A_60] : memref<10240x64xf32, #tpu.memory_space<vmem_shared>> -> memref<640x64xf32, #tpu.memory_space<vmem_shared>>
      %dma_start3A_62 = arith.constant 0 : i32
      %dma_start3A_63 = tpu.memref_slice %arg4[%mul3A_2, %dma_start3A_62] : memref<10240x64xf32, #tpu.memory_space<hbm>> -> memref<640x64xf32, #tpu.memory_space<hbm>>
      tpu.enqueue_dma source(%dma_start3A_63 : memref<640x64xf32, #tpu.memory_space<hbm>>) target(%dma_start3A_61 : memref<640x64xf32, #tpu.memory_space<vmem_shared>>) target_semaphore(%run_scoped3A_59 : memref<!tpu.dma_semaphore, #tpu.memory_space<semaphore_mem>>)
      %dma_wait3A_64 = arith.constant 0 : i32
      %dma_wait3A_65 = tpu.memref_slice %arg9[%mul3A_4, %dma_wait3A_64] : memref<10240x64xf32, #tpu.memory_space<vmem_shared>> -> memref<640x64xf32, #tpu.memory_space<vmem_shared>>
      %dma_wait3A_66 = arith.constant 0 : i32
      %dma_wait3A_67 = tpu.memref_slice %arg4[%mul3A_2, %dma_wait3A_66] : memref<10240x64xf32, #tpu.memory_space<hbm>> -> memref<640x64xf32, #tpu.memory_space<hbm>>
      tpu.wait_dma2 semaphore(%run_scoped3A_59 : memref<!tpu.dma_semaphore, #tpu.memory_space<semaphore_mem>>) src(%dma_wait3A_67 : memref<640x64xf32, #tpu.memory_space<hbm>>) dst(%dma_wait3A_65 : memref<640x64xf32, #tpu.memory_space<vmem_shared>>)
      tpu.yield
    }) : () -> ()
    %run_scoped3A = arith.constant 0 : i32
    "tpu.region"() ({
      %run_scoped3A_59 = tpu.sem_alloc : memref<!tpu.dma_semaphore, #tpu.memory_space<semaphore_mem>>
      %dma_start3A_60 = arith.constant 0 : i32
      %dma_start3A_61 = arith.constant 0 : i32
      %dma_start3A_62 = tpu.memref_slice %arg3[%run_scoped3A, %add3A, %dma_start3A_60, %dma_start3A_61] : memref<2x32x80x128xi32, #tpu.memory_space<hbm>> -> memref<1x1x80x128xi32, #tpu.memory_space<hbm>>
      %dma_start3A_63 = tpu.memref_squeeze %dma_start3A_62 : memref<1x1x80x128xi32, #tpu.memory_space<hbm>> -> memref<80x128xi32, #tpu.memory_space<hbm>>
      %dma_start3A_64 = arith.constant 0 : i32
      %dma_start3A_65 = arith.constant 0 : i32
      %dma_start3A_66 = tpu.memref_slice %arg3[%run_scoped3A, %add3A, %dma_start3A_64, %dma_start3A_65] : memref<2x32x80x128xi32, #tpu.memory_space<hbm>> -> memref<1x1x80x128xi32, #tpu.memory_space<hbm>>
      %dma_start3A_67 = tpu.memref_squeeze %dma_start3A_66 : memref<1x1x80x128xi32, #tpu.memory_space<hbm>> -> memref<80x128xi32, #tpu.memory_space<hbm>>
      tpu.enqueue_dma source(%dma_start3A_67 : memref<80x128xi32, #tpu.memory_space<hbm>>) target(%arg6 : memref<80x128xi32, #tpu.memory_space<vmem>>) target_semaphore(%run_scoped3A_59 : memref<!tpu.dma_semaphore, #tpu.memory_space<semaphore_mem>>)
      %dma_wait3A_68 = arith.constant 0 : i32
      %dma_wait3A_69 = arith.constant 0 : i32
      %dma_wait3A_70 = tpu.memref_slice %arg3[%run_scoped3A, %add3A, %dma_wait3A_68, %dma_wait3A_69] : memref<2x32x80x128xi32, #tpu.memory_space<hbm>> -> memref<1x1x80x128xi32, #tpu.memory_space<hbm>>
      %dma_wait3A_71 = tpu.memref_squeeze %dma_wait3A_70 : memref<1x1x80x128xi32, #tpu.memory_space<hbm>> -> memref<80x128xi32, #tpu.memory_space<hbm>>
      %dma_wait3A_72 = arith.constant 0 : i32
      %dma_wait3A_73 = arith.constant 0 : i32
      %dma_wait3A_74 = tpu.memref_slice %arg3[%run_scoped3A, %add3A, %dma_wait3A_72, %dma_wait3A_73] : memref<2x32x80x128xi32, #tpu.memory_space<hbm>> -> memref<1x1x80x128xi32, #tpu.memory_space<hbm>>
      %dma_wait3A_75 = tpu.memref_squeeze %dma_wait3A_74 : memref<1x1x80x128xi32, #tpu.memory_space<hbm>> -> memref<80x128xi32, #tpu.memory_space<hbm>>
      tpu.wait_dma2 semaphore(%run_scoped3A_59 : memref<!tpu.dma_semaphore, #tpu.memory_space<semaphore_mem>>) src(%dma_wait3A_75 : memref<80x128xi32, #tpu.memory_space<hbm>>) dst(%arg6 : memref<80x128xi32, #tpu.memory_space<vmem>>)
      tpu.yield
    }) : () -> ()
    %run_scoped3A_5 = arith.constant 1 : i32
    "tpu.region"() ({
      %run_scoped3A_59 = tpu.sem_alloc : memref<!tpu.dma_semaphore, #tpu.memory_space<semaphore_mem>>
      %dma_start3A_60 = arith.constant 0 : i32
      %dma_start3A_61 = arith.constant 0 : i32
      %dma_start3A_62 = tpu.memref_slice %arg3[%run_scoped3A_5, %add3A, %dma_start3A_60, %dma_start3A_61] : memref<2x32x80x128xi32, #tpu.memory_space<hbm>> -> memref<1x1x80x128xi32, #tpu.memory_space<hbm>>
      %dma_start3A_63 = tpu.memref_squeeze %dma_start3A_62 : memref<1x1x80x128xi32, #tpu.memory_space<hbm>> -> memref<80x128xi32, #tpu.memory_space<hbm>>
      %dma_start3A_64 = arith.constant 0 : i32
      %dma_start3A_65 = arith.constant 0 : i32
      %dma_start3A_66 = tpu.memref_slice %arg3[%run_scoped3A_5, %add3A, %dma_start3A_64, %dma_start3A_65] : memref<2x32x80x128xi32, #tpu.memory_space<hbm>> -> memref<1x1x80x128xi32, #tpu.memory_space<hbm>>
      %dma_start3A_67 = tpu.memref_squeeze %dma_start3A_66 : memref<1x1x80x128xi32, #tpu.memory_space<hbm>> -> memref<80x128xi32, #tpu.memory_space<hbm>>
      tpu.enqueue_dma source(%dma_start3A_67 : memref<80x128xi32, #tpu.memory_space<hbm>>) target(%arg7 : memref<80x128xi32, #tpu.memory_space<vmem>>) target_semaphore(%run_scoped3A_59 : memref<!tpu.dma_semaphore, #tpu.memory_space<semaphore_mem>>)
      %dma_wait3A_68 = arith.constant 0 : i32
      %dma_wait3A_69 = arith.constant 0 : i32
      %dma_wait3A_70 = tpu.memref_slice %arg3[%run_scoped3A_5, %add3A, %dma_wait3A_68, %dma_wait3A_69] : memref<2x32x80x128xi32, #tpu.memory_space<hbm>> -> memref<1x1x80x128xi32, #tpu.memory_space<hbm>>
      %dma_wait3A_71 = tpu.memref_squeeze %dma_wait3A_70 : memref<1x1x80x128xi32, #tpu.memory_space<hbm>> -> memref<80x128xi32, #tpu.memory_space<hbm>>
      %dma_wait3A_72 = arith.constant 0 : i32
      %dma_wait3A_73 = arith.constant 0 : i32
      %dma_wait3A_74 = tpu.memref_slice %arg3[%run_scoped3A_5, %add3A, %dma_wait3A_72, %dma_wait3A_73] : memref<2x32x80x128xi32, #tpu.memory_space<hbm>> -> memref<1x1x80x128xi32, #tpu.memory_space<hbm>>
      %dma_wait3A_75 = tpu.memref_squeeze %dma_wait3A_74 : memref<1x1x80x128xi32, #tpu.memory_space<hbm>> -> memref<80x128xi32, #tpu.memory_space<hbm>>
      tpu.wait_dma2 semaphore(%run_scoped3A_59 : memref<!tpu.dma_semaphore, #tpu.memory_space<semaphore_mem>>) src(%dma_wait3A_75 : memref<80x128xi32, #tpu.memory_space<hbm>>) dst(%arg7 : memref<80x128xi32, #tpu.memory_space<vmem>>)
      tpu.yield
    }) : () -> ()
    %barrier3A = arith.constant 0 : index
    tpu.barrier barrier_id(%barrier3A)
    %dma_start3A = arith.constant 0 : i32
    %dma_start3A_6 = arith.constant 0 : i32
    %dma_start3A_7 = arith.constant 0 : i32
    %dma_start3A_8 = arith.constant 0 : i32
    %dma_start3A_9 = arith.constant 0 : i32
    %dma_start3A_10 = tpu.memref_slice %arg8[%dma_start3A_6, %dma_start3A_8, %dma_start3A_9] : memref<3x128x64xf32, #tpu.memory_space<vmem>> -> memref<1x128x64xf32, #tpu.memory_space<vmem>>
    %dma_start3A_11 = tpu.memref_squeeze %dma_start3A_10 : memref<1x128x64xf32, #tpu.memory_space<vmem>> -> memref<128x64xf32, #tpu.memory_space<vmem>>
    %dma_start3A_12 = arith.constant 0 : i32
    %dma_start3A_13 = tpu.memref_slice %arg6[%dma_start3A, %dma_start3A_12] : memref<80x128xi32, #tpu.memory_space<vmem>> -> memref<1x128xi32, #tpu.memory_space<vmem>>
    %dma_start3A_14 = tpu.memref_squeeze %dma_start3A_13 : memref<1x128xi32, #tpu.memory_space<vmem>> -> memref<128xi32, #tpu.memory_space<vmem>>
    %dma_start3A_15 = arith.constant 0 : i32
    %dma_start3A_16 = arith.constant 0 : i32
    %dma_start3A_17 = tpu.memref_slice %arg2[%dma_start3A_15, %dma_start3A_16] : memref<10000x64xf32, #tpu.memory_space<hbm>> -> memref<10000x64xf32, #tpu.memory_space<hbm>>
    %dma_start3A_18 = tpu.memref_slice %arg10[%dma_start3A_7] : memref<3x!tpu.dma_semaphore, #tpu.memory_space<semaphore_mem>> -> memref<1x!tpu.dma_semaphore, #tpu.memory_space<semaphore_mem>>
    %dma_start3A_19 = tpu.memref_squeeze %dma_start3A_18 : memref<1x!tpu.dma_semaphore, #tpu.memory_space<semaphore_mem>> -> memref<!tpu.dma_semaphore, #tpu.memory_space<semaphore_mem>>
    tpu.enqueue_indirect_dma source(%dma_start3A_17 : memref<10000x64xf32, #tpu.memory_space<hbm>>) target(%dma_start3A_11 : memref<128x64xf32, #tpu.memory_space<vmem>>) offsets(%dma_start3A_14 : memref<128xi32, #tpu.memory_space<vmem>>) semaphore(%dma_start3A_19 : memref<!tpu.dma_semaphore, #tpu.memory_space<semaphore_mem>>)
    %dma_start3A_20 = arith.constant 1 : i32
    %dma_start3A_21 = arith.constant 1 : i32
    %dma_start3A_22 = arith.constant 1 : i32
    %dma_start3A_23 = arith.constant 0 : i32
    %dma_start3A_24 = arith.constant 0 : i32
    %dma_start3A_25 = tpu.memref_slice %arg8[%dma_start3A_21, %dma_start3A_23, %dma_start3A_24] : memref<3x128x64xf32, #tpu.memory_space<vmem>> -> memref<1x128x64xf32, #tpu.memory_space<vmem>>
    %dma_start3A_26 = tpu.memref_squeeze %dma_start3A_25 : memref<1x128x64xf32, #tpu.memory_space<vmem>> -> memref<128x64xf32, #tpu.memory_space<vmem>>
    %dma_start3A_27 = arith.constant 0 : i32
    %dma_start3A_28 = tpu.memref_slice %arg6[%dma_start3A_20, %dma_start3A_27] : memref<80x128xi32, #tpu.memory_space<vmem>> -> memref<1x128xi32, #tpu.memory_space<vmem>>
    %dma_start3A_29 = tpu.memref_squeeze %dma_start3A_28 : memref<1x128xi32, #tpu.memory_space<vmem>> -> memref<128xi32, #tpu.memory_space<vmem>>
    %dma_start3A_30 = arith.constant 0 : i32
    %dma_start3A_31 = arith.constant 0 : i32
    %dma_start3A_32 = tpu.memref_slice %arg2[%dma_start3A_30, %dma_start3A_31] : memref<10000x64xf32, #tpu.memory_space<hbm>> -> memref<10000x64xf32, #tpu.memory_space<hbm>>
    %dma_start3A_33 = tpu.memref_slice %arg10[%dma_start3A_22] : memref<3x!tpu.dma_semaphore, #tpu.memory_space<semaphore_mem>> -> memref<1x!tpu.dma_semaphore, #tpu.memory_space<semaphore_mem>>
    %dma_start3A_34 = tpu.memref_squeeze %dma_start3A_33 : memref<1x!tpu.dma_semaphore, #tpu.memory_space<semaphore_mem>> -> memref<!tpu.dma_semaphore, #tpu.memory_space<semaphore_mem>>
    tpu.enqueue_indirect_dma source(%dma_start3A_32 : memref<10000x64xf32, #tpu.memory_space<hbm>>) target(%dma_start3A_26 : memref<128x64xf32, #tpu.memory_space<vmem>>) offsets(%dma_start3A_29 : memref<128xi32, #tpu.memory_space<vmem>>) semaphore(%dma_start3A_34 : memref<!tpu.dma_semaphore, #tpu.memory_space<semaphore_mem>>)
    %scan3A = arith.constant 0 : i32
    %scan3A_35 = arith.constant 0 : i32
    %scan3A_36 = arith.constant 80 : i32
    %scan3A_37 = arith.addi %scan3A_35, %scan3A_36 : i32
    %scan3A_38 = arith.constant 1 : i32
    scf.for %scan3A_59 = %scan3A_35 to %scan3A_37 step %scan3A_38  : i32 {
      %rem3A = arith.constant 3 : i32
      %rem3A_60 = arith.remsi %scan3A_59, %rem3A : i32
      %dma_wait3A_61 = arith.constant 0 : i32
      %dma_wait3A_62 = arith.constant 0 : i32
      %dma_wait3A_63 = tpu.memref_slice %arg8[%rem3A_60, %dma_wait3A_61, %dma_wait3A_62] : memref<3x128x64xf32, #tpu.memory_space<vmem>> -> memref<1x128x64xf32, #tpu.memory_space<vmem>>
      %dma_wait3A_64 = tpu.memref_squeeze %dma_wait3A_63 : memref<1x128x64xf32, #tpu.memory_space<vmem>> -> memref<128x64xf32, #tpu.memory_space<vmem>>
      %dma_wait3A_65 = arith.constant 0 : i32
      %dma_wait3A_66 = arith.constant 0 : i32
      %dma_wait3A_67 = tpu.memref_slice %arg2[%dma_wait3A_65, %dma_wait3A_66] : memref<10000x64xf32, #tpu.memory_space<hbm>> -> memref<128x64xf32, #tpu.memory_space<hbm>>
      %dma_wait3A_68 = tpu.memref_slice %arg10[%rem3A_60] : memref<3x!tpu.dma_semaphore, #tpu.memory_space<semaphore_mem>> -> memref<1x!tpu.dma_semaphore, #tpu.memory_space<semaphore_mem>>
      %dma_wait3A_69 = tpu.memref_squeeze %dma_wait3A_68 : memref<1x!tpu.dma_semaphore, #tpu.memory_space<semaphore_mem>> -> memref<!tpu.dma_semaphore, #tpu.memory_space<semaphore_mem>>
      %dma_wait3A_70 = arith.constant 0 : i32
      %dma_wait3A_71 = arith.constant 0 : i32
      %dma_wait3A_72 = tpu.memref_slice %arg8[%rem3A_60, %dma_wait3A_70, %dma_wait3A_71] : memref<3x128x64xf32, #tpu.memory_space<vmem>> -> memref<1x128x64xf32, #tpu.memory_space<vmem>>
      %dma_wait3A_73 = tpu.memref_squeeze %dma_wait3A_72 : memref<1x128x64xf32, #tpu.memory_space<vmem>> -> memref<128x64xf32, #tpu.memory_space<vmem>>
      %dma_wait3A_74 = arith.constant 0 : i32
      %dma_wait3A_75 = arith.constant 0 : i32
      %dma_wait3A_76 = tpu.memref_slice %arg2[%dma_wait3A_74, %dma_wait3A_75] : memref<10000x64xf32, #tpu.memory_space<hbm>> -> memref<128x64xf32, #tpu.memory_space<hbm>>
      tpu.wait_dma2 semaphore(%dma_wait3A_69 : memref<!tpu.dma_semaphore, #tpu.memory_space<semaphore_mem>>) src(%dma_wait3A_76 : memref<128x64xf32, #tpu.memory_space<hbm>>) dst(%dma_wait3A_73 : memref<128x64xf32, #tpu.memory_space<vmem>>)
      %ge3A = arith.constant 1 : i32
      %ge3A_77 = arith.cmpi sge, %scan3A_59, %ge3A : i32
      %convert_element_type3A = arith.extui %ge3A_77 : i1 to i32
      %cond3A = arith.constant 0 : i32
      %cond3A_78 = arith.cmpi ne, %convert_element_type3A, %cond3A : i32
      scf.if %cond3A_78 {
        %sub3A = arith.constant 1 : i32
        %sub3A_97 = arith.subi %scan3A_59, %sub3A : i32
        %rem3A_98 = arith.constant 3 : i32
        %rem3A_99 = arith.remsi %sub3A_97, %rem3A_98 : i32
        %sub3A_100 = arith.constant 1 : i32
        %sub3A_101 = arith.subi %scan3A_59, %sub3A_100 : i32
        %dma_wait3A_102 = arith.constant 0 : i32
        %dma_wait3A_103 = arith.constant 0 : i32
        %dma_wait3A_104 = tpu.memref_slice %arg8[%rem3A_99, %dma_wait3A_102, %dma_wait3A_103] : memref<3x128x64xf32, #tpu.memory_space<vmem>> -> memref<1x128x64xf32, #tpu.memory_space<vmem>>
        %dma_wait3A_105 = tpu.memref_squeeze %dma_wait3A_104 : memref<1x128x64xf32, #tpu.memory_space<vmem>> -> memref<128x64xf32, #tpu.memory_space<vmem>>
        %dma_wait3A_106 = arith.constant 0 : i32
        %dma_wait3A_107 = tpu.memref_slice %arg7[%sub3A_101, %dma_wait3A_106] : memref<80x128xi32, #tpu.memory_space<vmem>> -> memref<1x128xi32, #tpu.memory_space<vmem>>
        %dma_wait3A_108 = tpu.memref_squeeze %dma_wait3A_107 : memref<1x128xi32, #tpu.memory_space<vmem>> -> memref<128xi32, #tpu.memory_space<vmem>>
        %dma_wait3A_109 = arith.constant 0 : i32
        %dma_wait3A_110 = arith.constant 0 : i32
        %dma_wait3A_111 = tpu.memref_slice %arg9[%dma_wait3A_109, %dma_wait3A_110] : memref<10240x64xf32, #tpu.memory_space<vmem_shared>> -> memref<10240x64xf32, #tpu.memory_space<vmem_shared>>
        %dma_wait3A_112 = tpu.memref_slice %arg11[%rem3A_99] : memref<3x!tpu.dma_semaphore, #tpu.memory_space<semaphore_mem>> -> memref<1x!tpu.dma_semaphore, #tpu.memory_space<semaphore_mem>>
        %dma_wait3A_113 = tpu.memref_squeeze %dma_wait3A_112 : memref<1x!tpu.dma_semaphore, #tpu.memory_space<semaphore_mem>> -> memref<!tpu.dma_semaphore, #tpu.memory_space<semaphore_mem>>
        tpu.wait_indirect_dma semaphore(%dma_wait3A_113 : memref<!tpu.dma_semaphore, #tpu.memory_space<semaphore_mem>>) src(%dma_wait3A_105 : memref<128x64xf32, #tpu.memory_space<vmem>>) dst(%dma_wait3A_111 : memref<10240x64xf32, #tpu.memory_space<vmem_shared>>)
      } else {
      }
      %dma_start3A_79 = arith.constant 0 : i32
      %dma_start3A_80 = arith.constant 0 : i32
      %dma_start3A_81 = tpu.memref_slice %arg8[%rem3A_60, %dma_start3A_79, %dma_start3A_80] : memref<3x128x64xf32, #tpu.memory_space<vmem>> -> memref<1x128x64xf32, #tpu.memory_space<vmem>>
      %dma_start3A_82 = tpu.memref_squeeze %dma_start3A_81 : memref<1x128x64xf32, #tpu.memory_space<vmem>> -> memref<128x64xf32, #tpu.memory_space<vmem>>
      %dma_start3A_83 = arith.constant 0 : i32
      %dma_start3A_84 = tpu.memref_slice %arg7[%scan3A_59, %dma_start3A_83] : memref<80x128xi32, #tpu.memory_space<vmem>> -> memref<1x128xi32, #tpu.memory_space<vmem>>
      %dma_start3A_85 = tpu.memref_squeeze %dma_start3A_84 : memref<1x128xi32, #tpu.memory_space<vmem>> -> memref<128xi32, #tpu.memory_space<vmem>>
      %dma_start3A_86 = arith.constant 0 : i32
      %dma_start3A_87 = arith.constant 0 : i32
      %dma_start3A_88 = tpu.memref_slice %arg9[%dma_start3A_86, %dma_start3A_87] : memref<10240x64xf32, #tpu.memory_space<vmem_shared>> -> memref<10240x64xf32, #tpu.memory_space<vmem_shared>>
      %dma_start3A_89 = tpu.memref_slice %arg11[%rem3A_60] : memref<3x!tpu.dma_semaphore, #tpu.memory_space<semaphore_mem>> -> memref<1x!tpu.dma_semaphore, #tpu.memory_space<semaphore_mem>>
      %dma_start3A_90 = tpu.memref_squeeze %dma_start3A_89 : memref<1x!tpu.dma_semaphore, #tpu.memory_space<semaphore_mem>> -> memref<!tpu.dma_semaphore, #tpu.memory_space<semaphore_mem>>
      tpu.enqueue_indirect_dma source(%dma_start3A_82 : memref<128x64xf32, #tpu.memory_space<vmem>>) target(%dma_start3A_88 : memref<10240x64xf32, #tpu.memory_space<vmem_shared>>) offsets(%dma_start3A_85 : memref<128xi32, #tpu.memory_space<vmem>>) semaphore(%dma_start3A_90 : memref<!tpu.dma_semaphore, #tpu.memory_space<semaphore_mem>>) {add = true}
      %add3A_91 = arith.constant 2 : i32
      %add3A_92 = arith.addi %scan3A_59, %add3A_91 : i32
      %lt3A = arith.constant 80 : i32
      %lt3A_93 = arith.cmpi slt, %add3A_92, %lt3A : i32
      %convert_element_type3A_94 = arith.extui %lt3A_93 : i1 to i32
      %cond3A_95 = arith.constant 0 : i32
      %cond3A_96 = arith.cmpi ne, %convert_element_type3A_94, %cond3A_95 : i32
      scf.if %cond3A_96 {
        %add3A_97 = arith.constant 2 : i32
        %add3A_98 = arith.addi %scan3A_59, %add3A_97 : i32
        %rem3A_99 = arith.constant 3 : i32
        %rem3A_100 = arith.remsi %add3A_98, %rem3A_99 : i32
        %add3A_101 = arith.constant 2 : i32
        %add3A_102 = arith.addi %scan3A_59, %add3A_101 : i32
        %dma_start3A_103 = arith.constant 0 : i32
        %dma_start3A_104 = arith.constant 0 : i32
        %dma_start3A_105 = tpu.memref_slice %arg8[%rem3A_100, %dma_start3A_103, %dma_start3A_104] : memref<3x128x64xf32, #tpu.memory_space<vmem>> -> memref<1x128x64xf32, #tpu.memory_space<vmem>>
        %dma_start3A_106 = tpu.memref_squeeze %dma_start3A_105 : memref<1x128x64xf32, #tpu.memory_space<vmem>> -> memref<128x64xf32, #tpu.memory_space<vmem>>
        %dma_start3A_107 = arith.constant 0 : i32
        %dma_start3A_108 = tpu.memref_slice %arg6[%add3A_102, %dma_start3A_107] : memref<80x128xi32, #tpu.memory_space<vmem>> -> memref<1x128xi32, #tpu.memory_space<vmem>>
        %dma_start3A_109 = tpu.memref_squeeze %dma_start3A_108 : memref<1x128xi32, #tpu.memory_space<vmem>> -> memref<128xi32, #tpu.memory_space<vmem>>
        %dma_start3A_110 = arith.constant 0 : i32
        %dma_start3A_111 = arith.constant 0 : i32
        %dma_start3A_112 = tpu.memref_slice %arg2[%dma_start3A_110, %dma_start3A_111] : memref<10000x64xf32, #tpu.memory_space<hbm>> -> memref<10000x64xf32, #tpu.memory_space<hbm>>
        %dma_start3A_113 = tpu.memref_slice %arg10[%rem3A_100] : memref<3x!tpu.dma_semaphore, #tpu.memory_space<semaphore_mem>> -> memref<1x!tpu.dma_semaphore, #tpu.memory_space<semaphore_mem>>
        %dma_start3A_114 = tpu.memref_squeeze %dma_start3A_113 : memref<1x!tpu.dma_semaphore, #tpu.memory_space<semaphore_mem>> -> memref<!tpu.dma_semaphore, #tpu.memory_space<semaphore_mem>>
        tpu.enqueue_indirect_dma source(%dma_start3A_112 : memref<10000x64xf32, #tpu.memory_space<hbm>>) target(%dma_start3A_106 : memref<128x64xf32, #tpu.memory_space<vmem>>) offsets(%dma_start3A_109 : memref<128xi32, #tpu.memory_space<vmem>>) semaphore(%dma_start3A_114 : memref<!tpu.dma_semaphore, #tpu.memory_space<semaphore_mem>>)
      } else {
      }
    }
    %scan3A_39 = arith.constant 80 : i32
    %dma_wait3A = arith.constant 1 : i32
    %dma_wait3A_40 = arith.constant 79 : i32
    %dma_wait3A_41 = arith.constant 1 : i32
    %dma_wait3A_42 = arith.constant 0 : i32
    %dma_wait3A_43 = arith.constant 0 : i32
    %dma_wait3A_44 = tpu.memref_slice %arg8[%dma_wait3A, %dma_wait3A_42, %dma_wait3A_43] : memref<3x128x64xf32, #tpu.memory_space<vmem>> -> memref<1x128x64xf32, #tpu.memory_space<vmem>>
    %dma_wait3A_45 = tpu.memref_squeeze %dma_wait3A_44 : memref<1x128x64xf32, #tpu.memory_space<vmem>> -> memref<128x64xf32, #tpu.memory_space<vmem>>
    %dma_wait3A_46 = arith.constant 0 : i32
    %dma_wait3A_47 = tpu.memref_slice %arg7[%dma_wait3A_40, %dma_wait3A_46] : memref<80x128xi32, #tpu.memory_space<vmem>> -> memref<1x128xi32, #tpu.memory_space<vmem>>
    %dma_wait3A_48 = tpu.memref_squeeze %dma_wait3A_47 : memref<1x128xi32, #tpu.memory_space<vmem>> -> memref<128xi32, #tpu.memory_space<vmem>>
    %dma_wait3A_49 = arith.constant 0 : i32
    %dma_wait3A_50 = arith.constant 0 : i32
    %dma_wait3A_51 = tpu.memref_slice %arg9[%dma_wait3A_49, %dma_wait3A_50] : memref<10240x64xf32, #tpu.memory_space<vmem_shared>> -> memref<10240x64xf32, #tpu.memory_space<vmem_shared>>
    %dma_wait3A_52 = tpu.memref_slice %arg11[%dma_wait3A_41] : memref<3x!tpu.dma_semaphore, #tpu.memory_space<semaphore_mem>> -> memref<1x!tpu.dma_semaphore, #tpu.memory_space<semaphore_mem>>
    %dma_wait3A_53 = tpu.memref_squeeze %dma_wait3A_52 : memref<1x!tpu.dma_semaphore, #tpu.memory_space<semaphore_mem>> -> memref<!tpu.dma_semaphore, #tpu.memory_space<semaphore_mem>>
    tpu.wait_indirect_dma semaphore(%dma_wait3A_53 : memref<!tpu.dma_semaphore, #tpu.memory_space<semaphore_mem>>) src(%dma_wait3A_45 : memref<128x64xf32, #tpu.memory_space<vmem>>) dst(%dma_wait3A_51 : memref<10240x64xf32, #tpu.memory_space<vmem_shared>>)
    %barrier3A_54 = arith.constant 0 : index
    tpu.barrier barrier_id(%barrier3A_54)
    %mul3A_55 = arith.constant 640 : i32
    %mul3A_56 = arith.muli %arg1, %mul3A_55 : i32
    %mul3A_57 = arith.constant 640 : i32
    %mul3A_58 = arith.muli %arg1, %mul3A_57 : i32
    "tpu.region"() ({
      %run_scoped3A_59 = tpu.sem_alloc : memref<!tpu.dma_semaphore, #tpu.memory_space<semaphore_mem>>
      %dma_start3A_60 = arith.constant 0 : i32
      %dma_start3A_61 = tpu.memref_slice %arg5[%arg0, %mul3A_58, %dma_start3A_60] : memref<2x10240x64xf32, #tpu.memory_space<hbm>> -> memref<1x640x64xf32, #tpu.memory_space<hbm>>
      %dma_start3A_62 = tpu.memref_squeeze %dma_start3A_61 : memref<1x640x64xf32, #tpu.memory_space<hbm>> -> memref<640x64xf32, #tpu.memory_space<hbm>>
      %dma_start3A_63 = arith.constant 0 : i32
      %dma_start3A_64 = tpu.memref_slice %arg9[%mul3A_56, %dma_start3A_63] : memref<10240x64xf32, #tpu.memory_space<vmem_shared>> -> memref<640x64xf32, #tpu.memory_space<vmem_shared>>
      tpu.enqueue_dma source(%dma_start3A_64 : memref<640x64xf32, #tpu.memory_space<vmem_shared>>) target(%dma_start3A_62 : memref<640x64xf32, #tpu.memory_space<hbm>>) target_semaphore(%run_scoped3A_59 : memref<!tpu.dma_semaphore, #tpu.memory_space<semaphore_mem>>)
      %dma_wait3A_65 = arith.constant 0 : i32
      %dma_wait3A_66 = tpu.memref_slice %arg5[%arg0, %mul3A_58, %dma_wait3A_65] : memref<2x10240x64xf32, #tpu.memory_space<hbm>> -> memref<1x640x64xf32, #tpu.memory_space<hbm>>
      %dma_wait3A_67 = tpu.memref_squeeze %dma_wait3A_66 : memref<1x640x64xf32, #tpu.memory_space<hbm>> -> memref<640x64xf32, #tpu.memory_space<hbm>>
      %dma_wait3A_68 = arith.constant 0 : i32
      %dma_wait3A_69 = tpu.memref_slice %arg9[%mul3A_56, %dma_wait3A_68] : memref<10240x64xf32, #tpu.memory_space<vmem_shared>> -> memref<640x64xf32, #tpu.memory_space<vmem_shared>>
      tpu.wait_dma2 semaphore(%run_scoped3A_59 : memref<!tpu.dma_semaphore, #tpu.memory_space<semaphore_mem>>) src(%dma_wait3A_69 : memref<640x64xf32, #tpu.memory_space<vmem_shared>>) dst(%dma_wait3A_67 : memref<640x64xf32, #tpu.memory_space<hbm>>)
      tpu.yield
    }) : () -> ()
    return
  }
}

module attributes {stable_mosaic.version = 14 : i64} {
  func.func @_tc0_body(%arg0: i32, %arg1: memref<2048x128xf32, #tpu.memory_space<vmem>>, %arg2: memref<128x64xf32, #tpu.memory_space<vmem>>, %arg3: memref<2048x64xf32, #tpu.memory_space<vmem>>) attributes {dimension_semantics = [#tpu.dimension_semantics<arbitrary>], iteration_bounds = array<i64: 5>, scalar_prefetch = 0 : i64, scratch_operands = 0 : i64, tpu.core_type = #tpu.core_type<tc>, window_params = [{transform_indices = @transform_0, window_bounds = array<i64: 2048, 128>}, {pipeline_mode = #tpu.pipeline_mode<synchronous>, transform_indices = @transform_1, window_bounds = array<i64: 128, 64>}, {transform_indices = @transform_2, window_bounds = array<i64: 2048, 64>}]} {
    %get3A = arith.constant 0 : index
    %get3A_0 = arith.constant 0 : index
    %get3A_1 = vector.load %arg1[%get3A, %get3A_0] : memref<2048x128xf32, #tpu.memory_space<vmem>>, vector<2048x128xf32>
    %get3A_2 = arith.constant 0 : index
    %get3A_3 = arith.constant 0 : index
    %get3A_4 = vector.load %arg2[%get3A_2, %get3A_3] : memref<128x64xf32, #tpu.memory_space<vmem>>, vector<128x64xf32>
    %dot_general3A = arith.constant dense<0.000000e+00> : vector<2048x64xf32>
    %dot_general3A_5 = tpu.matmul %get3A_1, %get3A_4, %dot_general3A {dimension_numbers = #tpu.dot_dimension_numbers<[1], [0], [0], [1], [0, 0, 1, 1], [], []>, transpose_lhs_hint = false} : vector<2048x128xf32>, vector<128x64xf32>, vector<2048x64xf32> -> vector<2048x64xf32>
    %swap3A = arith.constant 0 : index
    %swap3A_6 = arith.constant 0 : index
    %swap3A_7 = vector.load %arg3[%swap3A, %swap3A_6] : memref<2048x64xf32, #tpu.memory_space<vmem>>, vector<2048x64xf32>
    tpu.vector_store %arg3[%swap3A, %swap3A_6], %dot_general3A_5 {strides = array<i32>} : memref<2048x64xf32, #tpu.memory_space<vmem>>, vector<2048x64xf32>,
    return
  }
  func.func @transform_0(%arg0: i32) -> (i32, i32) {
    %c0_i32 = arith.constant 0 : i32
    %c0_i32_0 = arith.constant 0 : i32
    return %arg0, %c0_i32 : i32, i32
  }
  func.func @transform_1(%arg0: i32) -> (i32, i32) {
    %c0_i32 = arith.constant 0 : i32
    %c0_i32_0 = arith.constant 0 : i32
    %c0_i32_1 = arith.constant 0 : i32
    return %c0_i32, %c0_i32_0 : i32, i32
  }
  func.func @transform_2(%arg0: i32) -> (i32, i32) {
    %c0_i32 = arith.constant 0 : i32
    %c0_i32_0 = arith.constant 0 : i32
    return %arg0, %c0_i32 : i32, i32
  }
}

module attributes {stable_mosaic.version = 14 : i64} {
  func.func @_tc1_body(%arg0: i32, %arg1: memref<2048x64xf32, #tpu.memory_space<vmem>>, %arg2: memref<32x1x2048xf32, #tpu.memory_space<vmem>>, %arg3: memref<2048x64xf32, #tpu.memory_space<vmem>>, %arg4: memref<2048x1xf32, #tpu.memory_space<vmem>>) attributes {dimension_semantics = [#tpu.dimension_semantics<arbitrary>], iteration_bounds = array<i64: 5>, scalar_prefetch = 0 : i64, scratch_operands = 0 : i64, tpu.core_type = #tpu.core_type<tc>, window_params = [{transform_indices = @transform_0, window_bounds = array<i64: 2048, 64>}, {transform_indices = @transform_1, window_bounds = array<i64: 32, 1, 2048>}, {transform_indices = @transform_2, window_bounds = array<i64: 2048, 64>}, {transform_indices = @transform_3, window_bounds = array<i64: 2048, 1>}]} {
    %get3A = arith.constant 0 : index
    %get3A_0 = arith.constant 0 : index
    %get3A_1 = arith.constant 0 : index
    %get3A_2 = vector.load %arg2[%get3A, %get3A_0, %get3A_1] : memref<32x1x2048xf32, #tpu.memory_space<vmem>>, vector<32x1x2048xf32>
    %get3A_3 = vector.shape_cast %get3A_2 : vector<32x1x2048xf32> to vector<32x2048xf32>
    %reduce_sum3A = arith.constant dense<0.000000e+00> : vector<2048xf32>
    %reduce_sum3A_4 = vector.multi_reduction <add>, %get3A_3, %reduce_sum3A [0] : vector<32x2048xf32> to vector<2048xf32>
    %add3A = arith.constant 1.000000e+00 : f32
    %add3A_5 = vector.broadcast %add3A : f32 to vector<2048xf32>
    %add3A_6 = arith.addf %add3A_5, %reduce_sum3A_4 : vector<2048xf32>
    %rsqrt3A = math.rsqrt %add3A_6 : vector<2048xf32>
    %broadcast_in_dim3A = vector.shape_cast %rsqrt3A : vector<2048xf32> to vector<2048x1xf32>
    %get3A_7 = arith.constant 0 : index
    %get3A_8 = arith.constant 0 : index
    %get3A_9 = vector.load %arg1[%get3A_7, %get3A_8] : memref<2048x64xf32, #tpu.memory_space<vmem>>, vector<2048x64xf32>
    %mul3A = vector.broadcast %broadcast_in_dim3A : vector<2048x1xf32> to vector<2048x64xf32>
    %mul3A_10 = arith.mulf %get3A_9, %mul3A : vector<2048x64xf32>
    %swap3A = arith.constant 0 : index
    %swap3A_11 = arith.constant 0 : index
    %swap3A_12 = vector.load %arg3[%swap3A, %swap3A_11] : memref<2048x64xf32, #tpu.memory_space<vmem>>, vector<2048x64xf32>
    tpu.vector_store %arg3[%swap3A, %swap3A_11], %mul3A_10 {strides = array<i32>} : memref<2048x64xf32, #tpu.memory_space<vmem>>, vector<2048x64xf32>,
    %swap3A_13 = arith.constant 0 : index
    %swap3A_14 = arith.constant 0 : index
    %swap3A_15 = vector.load %arg4[%swap3A_13, %swap3A_14] : memref<2048x1xf32, #tpu.memory_space<vmem>>, vector<2048x1xf32>
    tpu.vector_store %arg4[%swap3A_13, %swap3A_14], %broadcast_in_dim3A {strides = array<i32>} : memref<2048x1xf32, #tpu.memory_space<vmem>>, vector<2048x1xf32>,
    return
  }
  func.func @transform_0(%arg0: i32) -> (i32, i32) {
    %c0_i32 = arith.constant 0 : i32
    %c0_i32_0 = arith.constant 0 : i32
    return %arg0, %c0_i32 : i32, i32
  }
  func.func @transform_1(%arg0: i32) -> (i32, i32, i32) {
    %c0_i32 = arith.constant 0 : i32
    %c0_i32_0 = arith.constant 0 : i32
    %c0_i32_1 = arith.constant 0 : i32
    return %c0_i32, %c0_i32_0, %arg0 : i32, i32, i32
  }
  func.func @transform_2(%arg0: i32) -> (i32, i32) {
    %c0_i32 = arith.constant 0 : i32
    %c0_i32_0 = arith.constant 0 : i32
    return %arg0, %c0_i32 : i32, i32
  }
  func.func @transform_3(%arg0: i32) -> (i32, i32) {
    %c0_i32 = arith.constant 0 : i32
    %c0_i32_0 = arith.constant 0 : i32
    return %arg0, %c0_i32 : i32, i32
  }
}

module attributes {stable_mosaic.version = 14 : i64} {
  func.func @_tc2_body(%arg0: i32, %arg1: memref<2x2048x64xf32, #tpu.memory_space<vmem>>, %arg2: memref<2048x64xf32, #tpu.memory_space<vmem>>, %arg3: memref<2048x1xf32, #tpu.memory_space<vmem>>, %arg4: memref<1x64xf32, #tpu.memory_space<vmem>>, %arg5: memref<2048x64xf32, #tpu.memory_space<vmem>>) attributes {dimension_semantics = [#tpu.dimension_semantics<arbitrary>], iteration_bounds = array<i64: 5>, scalar_prefetch = 0 : i64, scratch_operands = 0 : i64, tpu.core_type = #tpu.core_type<tc>, window_params = [{transform_indices = @transform_0, window_bounds = array<i64: 2, 2048, 64>}, {transform_indices = @transform_1, window_bounds = array<i64: 2048, 64>}, {transform_indices = @transform_2, window_bounds = array<i64: 2048, 1>}, {pipeline_mode = #tpu.pipeline_mode<synchronous>, transform_indices = @transform_3, window_bounds = array<i64: 1, 64>}, {transform_indices = @transform_4, window_bounds = array<i64: 2048, 64>}]} {
    %get3A = arith.constant 0 : index
    %get3A_0 = arith.constant 0 : index
    %get3A_1 = arith.constant 0 : index
    %get3A_2 = vector.load %arg1[%get3A, %get3A_0, %get3A_1] : memref<2x2048x64xf32, #tpu.memory_space<vmem>>, vector<1x2048x64xf32>
    %get3A_3 = vector.shape_cast %get3A_2 : vector<1x2048x64xf32> to vector<2048x64xf32>
    %get3A_4 = arith.constant 1 : index
    %get3A_5 = arith.constant 0 : index
    %get3A_6 = arith.constant 0 : index
    %get3A_7 = vector.load %arg1[%get3A_4, %get3A_5, %get3A_6] : memref<2x2048x64xf32, #tpu.memory_space<vmem>>, vector<1x2048x64xf32>
    %get3A_8 = vector.shape_cast %get3A_7 : vector<1x2048x64xf32> to vector<2048x64xf32>
    %add3A = arith.addf %get3A_3, %get3A_8 : vector<2048x64xf32>
    %get3A_9 = arith.constant 0 : index
    %get3A_10 = arith.constant 0 : index
    %get3A_11 = vector.load %arg2[%get3A_9, %get3A_10] : memref<2048x64xf32, #tpu.memory_space<vmem>>, vector<2048x64xf32>
    %add3A_12 = arith.addf %add3A, %get3A_11 : vector<2048x64xf32>
    %get3A_13 = arith.constant 0 : index
    %get3A_14 = arith.constant 0 : index
    %get3A_15 = vector.load %arg3[%get3A_13, %get3A_14] : memref<2048x1xf32, #tpu.memory_space<vmem>>, vector<2048x1xf32>
    %mul3A = vector.broadcast %get3A_15 : vector<2048x1xf32> to vector<2048x64xf32>
    %mul3A_16 = arith.mulf %mul3A, %add3A_12 : vector<2048x64xf32>
    %get3A_17 = arith.constant 0 : index
    %get3A_18 = arith.constant 0 : index
    %get3A_19 = vector.load %arg4[%get3A_17, %get3A_18] : memref<1x64xf32, #tpu.memory_space<vmem>>, vector<1x64xf32>
    %add3A_20 = vector.broadcast %get3A_19 : vector<1x64xf32> to vector<2048x64xf32>
    %add3A_21 = arith.addf %mul3A_16, %add3A_20 : vector<2048x64xf32>
    %max3A = arith.constant 0.000000e+00 : f32
    %max3A_22 = vector.broadcast %max3A : f32 to vector<2048x64xf32>
    %max3A_23 = arith.maximumf %add3A_21, %max3A_22 : vector<2048x64xf32>
    %get3A_24 = arith.constant 0 : index
    %get3A_25 = arith.constant 0 : index
    %get3A_26 = vector.load %arg3[%get3A_24, %get3A_25] : memref<2048x1xf32, #tpu.memory_space<vmem>>, vector<2048x1xf32>
    %mul3A_27 = vector.broadcast %get3A_26 : vector<2048x1xf32> to vector<2048x64xf32>
    %mul3A_28 = arith.mulf %max3A_23, %mul3A_27 : vector<2048x64xf32>
    %swap3A = arith.constant 0 : index
    %swap3A_29 = arith.constant 0 : index
    %swap3A_30 = vector.load %arg5[%swap3A, %swap3A_29] : memref<2048x64xf32, #tpu.memory_space<vmem>>, vector<2048x64xf32>
    tpu.vector_store %arg5[%swap3A, %swap3A_29], %mul3A_28 {strides = array<i32>} : memref<2048x64xf32, #tpu.memory_space<vmem>>, vector<2048x64xf32>,
    return
  }
  func.func @transform_0(%arg0: i32) -> (i32, i32, i32) {
    %c0_i32 = arith.constant 0 : i32
    %c0_i32_0 = arith.constant 0 : i32
    %c0_i32_1 = arith.constant 0 : i32
    return %c0_i32, %arg0, %c0_i32_0 : i32, i32, i32
  }
  func.func @transform_1(%arg0: i32) -> (i32, i32) {
    %c0_i32 = arith.constant 0 : i32
    %c0_i32_0 = arith.constant 0 : i32
    return %arg0, %c0_i32 : i32, i32
  }
  func.func @transform_2(%arg0: i32) -> (i32, i32) {
    %c0_i32 = arith.constant 0 : i32
    %c0_i32_0 = arith.constant 0 : i32
    return %arg0, %c0_i32 : i32, i32
  }
  func.func @transform_3(%arg0: i32) -> (i32, i32) {
    %c0_i32 = arith.constant 0 : i32
    %c0_i32_0 = arith.constant 0 : i32
    %c0_i32_1 = arith.constant 0 : i32
    return %c0_i32, %c0_i32_0 : i32, i32
  }
  func.func @transform_4(%arg0: i32) -> (i32, i32) {
    %c0_i32 = arith.constant 0 : i32
    %c0_i32_0 = arith.constant 0 : i32
    return %arg0, %c0_i32 : i32, i32
  }
}

module attributes {stable_mosaic.version = 14 : i64} {
  func.func @_tc3_body(%arg0: i32, %arg1: memref<2x2048x64xf32, #tpu.memory_space<vmem>>, %arg2: memref<2048x64xf32, #tpu.memory_space<vmem>>, %arg3: memref<2048x1xf32, #tpu.memory_space<vmem>>, %arg4: memref<64x128xf32, #tpu.memory_space<vmem>>, %arg5: memref<1x128xf32, #tpu.memory_space<vmem>>, %arg6: memref<2048x128xf32, #tpu.memory_space<vmem>>) attributes {dimension_semantics = [#tpu.dimension_semantics<arbitrary>], iteration_bounds = array<i64: 5>, scalar_prefetch = 0 : i64, scratch_operands = 0 : i64, tpu.core_type = #tpu.core_type<tc>, window_params = [{transform_indices = @transform_0, window_bounds = array<i64: 2, 2048, 64>}, {transform_indices = @transform_1, window_bounds = array<i64: 2048, 64>}, {transform_indices = @transform_2, window_bounds = array<i64: 2048, 1>}, {pipeline_mode = #tpu.pipeline_mode<synchronous>, transform_indices = @transform_3, window_bounds = array<i64: 64, 128>}, {pipeline_mode = #tpu.pipeline_mode<synchronous>, transform_indices = @transform_4, window_bounds = array<i64: 1, 128>}, {transform_indices = @transform_5, window_bounds = array<i64: 2048, 128>}]} {
    %get3A = arith.constant 0 : index
    %get3A_0 = arith.constant 0 : index
    %get3A_1 = vector.load %arg3[%get3A, %get3A_0] : memref<2048x1xf32, #tpu.memory_space<vmem>>, vector<2048x1xf32>
    %get3A_2 = arith.constant 0 : index
    %get3A_3 = arith.constant 0 : index
    %get3A_4 = arith.constant 0 : index
    %get3A_5 = vector.load %arg1[%get3A_2, %get3A_3, %get3A_4] : memref<2x2048x64xf32, #tpu.memory_space<vmem>>, vector<1x2048x64xf32>
    %get3A_6 = vector.shape_cast %get3A_5 : vector<1x2048x64xf32> to vector<2048x64xf32>
    %get3A_7 = arith.constant 1 : index
    %get3A_8 = arith.constant 0 : index
    %get3A_9 = arith.constant 0 : index
    %get3A_10 = vector.load %arg1[%get3A_7, %get3A_8, %get3A_9] : memref<2x2048x64xf32, #tpu.memory_space<vmem>>, vector<1x2048x64xf32>
    %get3A_11 = vector.shape_cast %get3A_10 : vector<1x2048x64xf32> to vector<2048x64xf32>
    %add3A = arith.addf %get3A_6, %get3A_11 : vector<2048x64xf32>
    %get3A_12 = arith.constant 0 : index
    %get3A_13 = arith.constant 0 : index
    %get3A_14 = vector.load %arg2[%get3A_12, %get3A_13] : memref<2048x64xf32, #tpu.memory_space<vmem>>, vector<2048x64xf32>
    %add3A_15 = arith.addf %add3A, %get3A_14 : vector<2048x64xf32>
    %mul3A = vector.broadcast %get3A_1 : vector<2048x1xf32> to vector<2048x64xf32>
    %mul3A_16 = arith.mulf %mul3A, %add3A_15 : vector<2048x64xf32>
    %get3A_17 = arith.constant 0 : index
    %get3A_18 = arith.constant 0 : index
    %get3A_19 = vector.load %arg4[%get3A_17, %get3A_18] : memref<64x128xf32, #tpu.memory_space<vmem>>, vector<64x128xf32>
    %dot_general3A = arith.constant dense<0.000000e+00> : vector<2048x128xf32>
    %dot_general3A_20 = tpu.matmul %mul3A_16, %get3A_19, %dot_general3A {dimension_numbers = #tpu.dot_dimension_numbers<[1], [0], [0], [1], [0, 0, 1, 1], [], []>, transpose_lhs_hint = false} : vector<2048x64xf32>, vector<64x128xf32>, vector<2048x128xf32> -> vector<2048x128xf32>
    %get3A_21 = arith.constant 0 : index
    %get3A_22 = arith.constant 0 : index
    %get3A_23 = vector.load %arg5[%get3A_21, %get3A_22] : memref<1x128xf32, #tpu.memory_space<vmem>>, vector<1x128xf32>
    %add3A_24 = vector.broadcast %get3A_23 : vector<1x128xf32> to vector<2048x128xf32>
    %add3A_25 = arith.addf %dot_general3A_20, %add3A_24 : vector<2048x128xf32>
    %reduce_max3A = arith.constant dense<0xFF800000> : vector<2048xf32>
    %reduce_max3A_26 = vector.multi_reduction <maximumf>, %add3A_25, %reduce_max3A [1] : vector<2048x128xf32> to vector<2048xf32>
    %broadcast_in_dim3A = vector.shape_cast %reduce_max3A_26 : vector<2048xf32> to vector<2048x1xf32>
    %sub3A = vector.broadcast %broadcast_in_dim3A : vector<2048x1xf32> to vector<2048x128xf32>
    %sub3A_27 = arith.subf %add3A_25, %sub3A : vector<2048x128xf32>
    %exp3A = math.exp %sub3A_27 : vector<2048x128xf32>
    %reduce_sum3A = arith.constant dense<0.000000e+00> : vector<2048xf32>
    %reduce_sum3A_28 = vector.multi_reduction <add>, %exp3A, %reduce_sum3A [1] : vector<2048x128xf32> to vector<2048xf32>
    %broadcast_in_dim3A_29 = vector.shape_cast %reduce_sum3A_28 : vector<2048xf32> to vector<2048x1xf32>
    %log3A = math.log %broadcast_in_dim3A_29 : vector<2048x1xf32>
    %add3A_30 = arith.addf %log3A, %broadcast_in_dim3A : vector<2048x1xf32>
    %sub3A_31 = vector.broadcast %add3A_30 : vector<2048x1xf32> to vector<2048x128xf32>
    %sub3A_32 = arith.subf %add3A_25, %sub3A_31 : vector<2048x128xf32>
    %swap3A = arith.constant 0 : index
    %swap3A_33 = arith.constant 0 : index
    %swap3A_34 = vector.load %arg6[%swap3A, %swap3A_33] : memref<2048x128xf32, #tpu.memory_space<vmem>>, vector<2048x128xf32>
    tpu.vector_store %arg6[%swap3A, %swap3A_33], %sub3A_32 {strides = array<i32>} : memref<2048x128xf32, #tpu.memory_space<vmem>>, vector<2048x128xf32>,
    return
  }
  func.func @transform_0(%arg0: i32) -> (i32, i32, i32) {
    %c0_i32 = arith.constant 0 : i32
    %c0_i32_0 = arith.constant 0 : i32
    %c0_i32_1 = arith.constant 0 : i32
    return %c0_i32, %arg0, %c0_i32_0 : i32, i32, i32
  }
  func.func @transform_1(%arg0: i32) -> (i32, i32) {
    %c0_i32 = arith.constant 0 : i32
    %c0_i32_0 = arith.constant 0 : i32
    return %arg0, %c0_i32 : i32, i32
  }
  func.func @transform_2(%arg0: i32) -> (i32, i32) {
    %c0_i32 = arith.constant 0 : i32
    %c0_i32_0 = arith.constant 0 : i32
    return %arg0, %c0_i32 : i32, i32
  }
  func.func @transform_3(%arg0: i32) -> (i32, i32) {
    %c0_i32 = arith.constant 0 : i32
    %c0_i32_0 = arith.constant 0 : i32
    %c0_i32_1 = arith.constant 0 : i32
    return %c0_i32, %c0_i32_0 : i32, i32
  }
  func.func @transform_4(%arg0: i32) -> (i32, i32) {
    %c0_i32 = arith.constant 0 : i32
    %c0_i32_0 = arith.constant 0 : i32
    %c0_i32_1 = arith.constant 0 : i32
    return %c0_i32, %c0_i32_0 : i32, i32
  }
  func.func @transform_5(%arg0: i32) -> (i32, i32) {
    %c0_i32 = arith.constant 0 : i32
    %c0_i32_0 = arith.constant 0 : i32
    return %arg0, %c0_i32 : i32, i32
  }
}

</mosaic_0001>

<sc_bundles>
// kernel: kernel.12.cloned.1.call-start
scs
__scs_entry_jumppad:
0x0: {  	(pc) =	sbr.rel $0x88, $3  }
0x1: {  	(tag) =	ssettag $0x0;
	lr =	simm.s32 $0x1  }
0x2: {  	[smem:$0x3F9B] =	sst lr;
	_ =	strace $0xD0000000  }
0x3: {  	_ = 	snop  }
0x4: {  	_ = 	snop  }
0x5: {  	_ = 	snop  }
0x6: {  	_ = 	snop  }
0x7: {  	_ = 	snop  }
__scs_overlays_trampoline_lowered:
0x8: {  	[smem:$0x3FAA] =	sst s0  }
0x9: {  	[smem:$0x3FAB] =	sst s1  }
0xa: {  	[smem:$0x3FAC] =	sst s2  }
0xb: {  	[smem:$0x3FAD] =	sst s3  }
0xc: {  	[smem:$0x3FAE] =	sst s4  }
0xd: {  	[smem:$0x3FAF] =	sst s5  }
0xe: {  	[smem:$0x3FB0] =	sst s6  }
0xf: {  	[smem:$0x3FB1] =	sst s7  }
0x10: {  	[smem:$0x3FB2] =	sst s8  }
0x11: {  	[smem:$0x3FB3] =	sst s9;
	s0 =	simm.s32 @!p0 $0x0  }
0x12: {  	s1 =	sld [smem:$0x3F99];
	s0 =	simm.s32 @p0 $0x1  }
0x13: {  	[smem:$0x3FB4] =	sst s0;
	s0 =	simm.s32 @!p1 $0x0  }
0x14: {  	s2 =	sld [smem:$0x3F98];
	s0 =	simm.s32 @p1 $0x1  }
0x15: {  	[smem:$0x3FB5] =	sst s0;
	s0 =	simm.s32 @!p2 $0x0  }
0x16: {  	s3 =	sld [smem:$0x3FDB];
	s0 =	simm.s32 @p2 $0x1  }
0x17: {  	s4 =	simm.s32 $0x1BF5;
	[smem:$0x3FB7] =	sst s0  }
0x18: {  	s0 =	sld [smem:$0x3F9A];
	_ =	swait.ge [sflag:s4], $0x0  }
0x19: {  	s7 =	sld [smem:$0x3F9B]  }
0x1a: {  	s8 =	sadd.s32 $0xFFFFE003, lr  }
0x1b: {  	s9 =	sadd.s32 $0xFFFFFEF7, lr;
	s5 =	simm.s32 $0xFFFFFFFF;
	p2 =	slt.u32 s8, $0xFFFFF086  }
0x1c: {  	p1 =	slt.u32 s9, $0xF7A;
	s5 =	simm.s32 @!p2 $0x0  }
0x1d: {  	s5 =	simm.s32 @p1 $0x1;
	p0 =	seq.s32 s7, s2  }
0x1e: {  	s7 =	smul.u32 @!p0 $0xF7A, s2;
	p2 =	seq.s32 @!p0 s5, $0x0  }
0x1f: {  	s9 =	smul.u32 $0xF7A, s1;
	s8 =	simm.s32 @!p0 $0x1BF5;
	p2 =	por !p2, p0  }
0x20: {  	[sflag:s8] =	ssyncset.s32 @!p0 $0xFFFFF086;
	s6 =	sadd.s32 @!p0 s3, s7;
	s7 =	simm.s32 @!p0 $0x108  }
0x21: {  	s3 =	sadd.s32 s3, s9;
	s6 =	sadd.s32 @!p0 $0x88, s6;
	s7 =	simm.s32 @p2 $0x1082  }
0x22: {  	[simem:s7], [sflag:s8] =	dma.local @!p0 [hbm:s6], $0xF7A  }
0x23: {  	s9 =	sor.u32 $0xD0000000, s2;
	s6 =	simm.s32 $0x108;
	_ =	swait.ge @!p0 [sflag:s8], $0x0  }
0x24: {  	s3 =	sadd.s32 $0x88, s3;
	s6 =	simm.s32 @!p1 $0x1082;
	[sflag:s4] =	ssyncset.s32 $0xFFFFF086  }
0x25: {  	[simem:s6], [sflag:s4] =	dma.local [hbm:s3], $0xF7A  }
0x26: {  	[smem:$0x3F9B] =	sst s1;
	(tag) =	ssettag s2;
	_ =	strace s9  }
0x27: {  	s1 =	sld [smem:$0x3FAB]  }
0x28: {  	s2 =	sld [smem:$0x3FAC]  }
0x29: {  	s4 =	sld [smem:$0x3FAE]  }
0x2a: {  	p0 =	seq.s32 s5, $0x0;
	s5 =	sld [smem:$0x3FAF]  }
0x2b: {  	s6 =	sld [smem:$0x3FB0]  }
0x2c: {  	s7 =	sld [smem:$0x3FB1]  }
0x2d: {  	s3 =	simm.s32 $0x108;
	s8 =	sld [smem:$0x3FB2]  }
0x2e: {  	s3 =	simm.s32 @!p0 $0x1082;
	s9 =	sld [smem:$0x3FB3]  }
0x2f: {  	lr =	sadd.s32 s0, s3;
	s0 =	sld [smem:$0x3FAA]  }
0x30: {  	s3 =	sld [smem:$0x3FAD]  }
0x31: {  	[smem:$0x3FB6] =	sst s10  }
0x32: {  	s10 =	sld [smem:$0x3FB4];
	_ =	sdelay $0x3  }
0x33: {  	p0 =	seq.s32 s10, $0x1;
	s10 =	sld [smem:$0x3FB6];
	_ =	sdelay $0x3  }
0x34: {  	[smem:$0x3FB6] =	sst s10  }
0x35: {  	s10 =	sld [smem:$0x3FB5];
	_ =	sdelay $0x3  }
0x36: {  	p1 =	seq.s32 s10, $0x1;
	s10 =	sld [smem:$0x3FB6];
	_ =	sdelay $0x3  }
0x37: {  	[smem:$0x3FB6] =	sst s10  }
0x38: {  	s10 =	sld [smem:$0x3FB7]  }
0x39: {  	_ = 	snop;
	(pc) =	sbr.ind lr, $3  }
0x3a: {  	_ = 	snop  }
0x3b: {  	_ = 	snop  }
0x3c: {  	p2 =	seq.s32 s10, $0x1;
	s10 =	sld [smem:$0x3FB6]  }
0x3d: {  	_ =	shalt  }
0x3e: {  	_ =	shalt  }
0x3f: {  	_ =	shalt  }
0x40: {  	_ =	shalt  }
0x41: {  	_ =	shalt  }
0x42: {  	_ =	shalt  }
0x43: {  	_ =	shalt  }
0x44: {  	_ =	shalt  }
0x45: {  	_ =	shalt  }
0x46: {  	_ =	shalt  }
0x47: {  	_ =	shalt  }
0x48: {  	_ =	shalt  }
0x49: {  	_ =	shalt  }
0x4a: {  	_ =	shalt  }
0x4b: {  	_ =	shalt  }
0x4c: {  	_ =	shalt  }
0x4d: {  	_ =	shalt  }
0x4e: {  	_ =	shalt  }
0x4f: {  	_ =	shalt  }
0x50: {  	_ =	shalt  }
0x51: {  	_ =	shalt  }
0x52: {  	_ =	shalt  }
0x53: {  	_ =	shalt  }
0x54: {  	_ =	shalt  }
0x55: {  	_ =	shalt  }
0x56: {  	_ =	shalt  }
0x57: {  	_ =	shalt  }
0x58: {  	_ =	shalt  }
0x59: {  	_ =	shalt  }
0x5a: {  	_ =	shalt  }
0x5b: {  	_ =	shalt  }
0x5c: {  	_ =	shalt  }
0x5d: {  	_ =	shalt  }
0x5e: {  	_ =	shalt  }
0x5f: {  	_ =	shalt  }
0x60: {  	_ =	shalt  }
0x61: {  	_ =	shalt  }
0x62: {  	_ =	shalt  }
0x63: {  	_ =	shalt  }
0x64: {  	_ =	shalt  }
0x65: {  	_ =	shalt  }
0x66: {  	_ =	shalt  }
0x67: {  	_ =	shalt  }
0x68: {  	_ =	shalt  }
0x69: {  	_ =	shalt  }
0x6a: {  	_ =	shalt  }
0x6b: {  	_ =	shalt  }
0x6c: {  	_ =	shalt  }
0x6d: {  	_ =	shalt  }
0x6e: {  	_ =	shalt  }
0x6f: {  	_ =	shalt  }
0x70: {  	_ =	shalt  }
0x71: {  	_ =	shalt  }
0x72: {  	_ =	shalt  }
0x73: {  	_ =	shalt  }
0x74: {  	_ =	shalt  }
0x75: {  	_ =	shalt  }
0x76: {  	_ =	shalt  }
0x77: {  	_ =	shalt  }
0x78: {  	_ =	shalt  }
0x79: {  	_ =	shalt  }
0x7a: {  	_ =	shalt  }
0x7b: {  	_ =	shalt  }
0x7c: {  	_ =	shalt  }
0x7d: {  	_ =	shalt  }
0x7e: {  	_ =	shalt  }
0x7f: {  	_ =	shalt  }
0x80: {  	_ =	shalt  }
0x81: {  	_ =	shalt  }
0x82: {  	_ =	shalt  }
0x83: {  	_ =	shalt  }
0x84: {  	_ =	shalt  }
0x85: {  	_ =	shalt  }
0x86: {  	_ =	shalt  }
0x87: {  	_ =	shalt  }
.Lfunc_end0:
.L_simem_size_0:
called_computation.1_lowered:
.L_overlay_start_0:
0x88: {  	s2 =	sld [smem:$0x3FD9]  }
0x89: {  	s3 =	sld [smem:$0x3FFE];
	_ =	sdelay $0x1  }
0x8a: {  	s1 =	srdreg.scid  }
0x8b: {  	s0 =	sand.u32 $0x1, s1  }
0x8c: {  	s17 =	sshll.u32 s0, $0xA;
	s2 =	sadd.s32 s3, s2  }
0x8d: {  	s2 =	sadd.s32 s2, s17  }
0x8e: {  	[smem:$0x3FC2] =	sst s2  }
0x8f: {  	_ = 	snop  }
0x90: {  	s2 =	sld [smem:$0x3FD0];
	(tm) =	ssettm $0x1  }
0x91: {  	s18 =	sld [smem:$0x3FFB];
	_ =	sdelay $0x3  }
0x92: {  	_ =	strace s18  }
0x93: {  	s3 =	sld [smem:$0x3FFC];
	_ =	sdelay $0x3  }
0x94: {  	_ =	strace s3  }
0x95: {  	s3 =	sld [smem:$0x3FFD];
	_ =	sdelay $0x3  }
0x96: {  	_ =	strace s3  }
0x97: {  	_ =	strace $0x8FFFFFFF  }
0x98: {  	s19 =	sld [smem:$0x3FDB];
	_ =	sdelay $0x1  }
0x99: {  	s4 =	simm.s32 $_scs_section_size  }
0x9a: {  	s5 =	simm.s32 $_size__tile_overlayer_lowered;
	s6 =	simm.s32 $_tile_overlayer_lowered  }
0x9b: {  	s22 =	simm.s32 $0x1BFF;
	s21 =	sshll.u32 s6, $0x1;
	s3 =	sadd.s32 s4, s19  }
0x9c: {  	s7 =	simm.s32 $0x0;
	s20 =	sshll.u32 s5, $0x1;
	s5 =	sadd.s32 s21, s3  }
0x9d: {  	[timem:s7], [sflag:s22] =	dma.local [hbm:s5], s20  }
0x9e: {  	_ =	swait.ge [sflag:s22], s20  }
0x9f: {  	s4 =	ssub.s32 $0x0, s20;
	[sflag:s22] =	ssyncset.done $0x0  }
0xa0: {  	[sflag:s22] =	ssyncadd.s32 s4;
	_ =	sdelay $0x1  }
0xa1: {  	s23 =	simm.s32 $0x1B8B  }
0xa2: {  	_ =	swait.ge [sflag:s23], $0x1  }
0xa3: {  	[sflag:s23] =	ssyncset.done $0x0  }
0xa4: {  	s25 =	simm.s32 $0x1B8E;
	s24 =	sld [smem:$0x3FFE];
	[sflag:s23] =	ssyncadd.s32 $0xFFFFFFFF  }
0xa5: {  	s26 =	simm.s32 $execute0_lowered;
	[smem:$0x3FD2] =	sst s25  }
0xa6: {  	s5 =	sshll.u32 s26, $0x1;
	_ =	strace $0x80000049;
	[dreg:$0x1] =	wrdreg $0xFFFFFFFF  }
0xa7: {  	s28 =	simm.s32 $_size_execute0_lowered;
	s3 =	sadd.s32 s3, s5;
	[dreg:$0x0] =	wrdreg $0x0  }
0xa8: {  	s5 =	sshll.u32 s28, $0x1;
	[dreg:$0x2] =	wrdreg s3  }
0xa9: {  	[dreg:$0x3] =	wrdreg s5  }
0xaa: {  	[dreg:$0x4] =	wrdreg $0xC0  }
0xab: {  	_ =	task [dreg:s7], $0x5FFFF  }
0xac: {  	[dreg:$0x1] =	wrdreg $0xFFFFFFFF  }
0xad: {  	[dreg:$0x0] =	wrdreg $0x60  }
0xae: {  	[dreg:$0x2] =	wrdreg s24  }
0xaf: {  	[dreg:$0x3] =	wrdreg s2  }
0xb0: {  	[dreg:$0x4] =	wrdreg $0xB0000  }
0xb1: {  	[dreg:$0x5] =	wrdreg $0x9  }
0xb2: {  	_ =	task.clear_ibuf [dreg:s7], $0x6FFFF;
	_ =	strace $0x90000049  }
0xb3: {  	s29 =	simm.s32 $0x9;
	_ =	strace $0x8000004B  }
0xb4: {  	_ =	swait.ge [sflag:s29], $0x1  }
0xb5: {  	[sflag:s29] =	ssyncadd.s32 $0xFFFFFFFF  }
0xb6: {  	_ =	strace $0x9000004B  }
0xb7: {  	_ =	sfence  }
0xb8: {  	s30 =	sld [smem:$0x0];
	_ =	sdelay $0x2  }
0xb9: {  	s31 =	sshll.u32 s1, $0xD;
	s1 =	sshrl.u32 s1, $0x2  }
0xba: {  	s3 =	sand.u32 $0x4000, s31;
	s1 =	sadd.s32 s1, s30  }
0xbb: {  	s0 =	sor.u32 s3, s0;
	s1 =	sshll.u32 s1, $0x11  }
0xbc: {  	s0 =	sor.u32 s1, s0  }
0xbd: {  	s0 =	sadd.s32 $0x8F2B, s0  }
0xbe: {  	[sflag:s0] =	ssyncadd.remote.s32 $0x1  }
0xbf: {  	_ =	sfence.sel $0xFFFF  }
0xc0: {  	[dreg:$0x0] =	wrdreg $0xFFFFFFFF;
	(pc) =	sbr.abs _section_cstart, $3  }
0xc1: {  	[dreg:$0x1] =	wrdreg $0xFFFFFFFF  }
0xc2: {  	_ =	task.clear_ibuf [dreg:s7], $0x2FFFF;
	_ =	strace $0x9FFFFFFF  }
0xc3: {  	(tm) =	ssettm $0x7FFFFFFF  }
tec
execute0_lowered:
.L_overlay_start_1:
0x0: {  	(tag) =	ssettag $0x1  }
0x1: {  	s5 =	rddreg [dreg:$0x0]  }
0x2: {  	s6 =	rddreg [dreg:$0x1]  }
0x3: {  	s2 =	rddreg [dreg:$0x2]  }
0x4: {  	s0 =	rddreg [dreg:$0x3]  }
0x5: {  	s1 =	stileid.u32;
	s4 =	srdreg.scid  }
0x6: {  	s3 =	simm.s32 $0x0;
	s14 =	simm.s32 $0x5000;
	s15 =	simm.s32 $0x7000  }
0x7: {  	s16 =	simm.s32 $0x2800;
	s17 =	simm.s32 $0x5;
	s18 =	simm.s32 $0x0  }
0x8: {  	s7 =	smul.u32 $0xA000, s1;
	s8 =	sand.u32 $0x1, s4;
	[smem:$0x7FF] =	sst s3  }
0x9: {  	s4 =	sadd.s32 $0x2000, s5;
	s10 =	sshll.u32 s1, $0x1;
	s31 =	sshll.u32 s1, $0x6  }
0xa: {  	s9 =	smul.u32 $0xA0000, s8;
	_ =	strace $0x8000004A;
	s10 =	sor.u32 s8, s10  }
0xb: {  	s8 =	ssub.s32 $0x2, s8;
	s11 =	sshrl.u32 s7, $0x3;
	s10 =	smul.u32 $0x2800, s10  }
0xc: {  	s29 =	sshrl.u32 s8, $0x1;
	s13 =	sadd.s32 s7, s2;
	s9 =	sadd.s32 s7, s9  }
.Ltmp0:
0xd: {  	s11 =	sadd.s32 s11, s5;
	s12 =	ssub.s32 s8, s29;
	(pc) =	sbr.rel .LBB2_1-.Ltmp0, $4  }
0xe: {  	s7 =	sor.u32 $0x1C07, s31;
	s9 =	sshrl.u32 s9, $0x3;
	s30 =	sshrl.u32 s10, $0x3  }
0xf: {  	s10 =	smax.u32 s12, $0x1;
	s12 =	simm.s32 $0x7;
	s9 =	sadd.s32 s9, s5  }
0x10: {  	s5 =	sadd.s32 $0x15A00, s11;
	s6 =	sadd.s32 s6, s30;
	s11 =	sshrl.u32 s13, $0x3  }
0x11: {  	s13 =	simm.s32 $0x80;
	s8 =	sadd.s32 $0xA000, s6;
	s9 =	sadd.s32 $0x29A00, s9  }
.LBB2_7:
0x12: {  	_ =	swait.ge [sflag:s17], $0x2000  }
0x13: {  	s18 =	sadd.s32 $0x1, s18;
	[sflag:s17] =	ssyncset.done $0x0  }
0x14: {  	p0 =	sne.s32 s18, s10;
	[sflag:s17] =	ssyncadd.s32 $0xFFFFE000  }
.Ltmp1:
0x15: {  	[bflag:$0x0] =	sbarrier.arrive $0xFFFF;
	(pc) =	sbr.rel @!p0 .LBB2_8-.Ltmp1, $4  }
0x16: {  	[hbm:s9], [sflag:s7] =	dma.local [spmem:s11], $0x1400  }
0x17: {  	_ =	swait.ge [sflag:s12], $0x1400  }
0x18: {  	[sflag:s12] =	ssyncset.done $0x0  }
0x19: {  	[sflag:s12] =	ssyncadd.s32 $0xFFFFEC00  }
.LBB2_1:
0x1a: {  	[spmem:s11], [sflag:s7] =	dma.local [hbm:s5], $0x1400  }
0x1b: {  	_ =	swait.ge [sflag:s12], $0x1400  }
0x1c: {  	[sflag:s12] =	ssyncset.done $0x0  }
0x1d: {  	[sflag:s12] =	ssyncadd.s32 $0xFFFFEC00  }
0x1e: {  	[tilespmem:s3], [sflag:$0x7] =	stream.linear.gather [hbm4b:s6+s3], $0x2800, $0x38;
	[tilespmem:$0x15000] =	vst v63  }
0x1f: {  	_ =	swait.ge [sflag:s12], $0x2800  }
0x20: {  	[sflag:s12] =	ssyncset.done $0x0  }
0x21: {  	[sflag:s12] =	ssyncadd.s32 $0xFFFFD800  }
0x22: {  	[tilespmem:s16], [sflag:$0x7] =	stream.linear.gather [hbm4b:s8+s3], $0x2800, $0x38;
	[tilespmem:$0x15000] =	vst v63  }
0x23: {  	_ =	swait.ge [sflag:s12], $0x2800  }
0x24: {  	[sflag:s12] =	ssyncset.done $0x0  }
.Ltmp2:
0x25: {  	[sflag:s12] =	ssyncadd.s32 $0xFFFFD800;
	(pc) =	sbr.rel .LBB2_2-.Ltmp2, $4  }
0x26: {  	[bflag:$0x0] =	sbarrier.arrive $0xFFFF  }
0x27: {  	[tilespmem:s14], [sflag:$0x1] =	stream.indirect.gather [hbm4b:s4+s13], $0x40, s3, s13, $0xb8;
	[tilespmem:$0x15000] =	vst v63  }
0x28: {  	s19 =	simm.s32 $0x100;
	s20 =	simm.s32 $0x2800;
	s21 =	simm.s32 $0x0  }
0x29: {  	[tilespmem:s15], [sflag:$0x2] =	stream.indirect.gather [hbm4b:s4+s13], $0x40, s13, s13, $0xb8;
	[tilespmem:$0x15000] =	vst v63  }
.LBB2_3:
0x2a: {  	[spmem:s2] =	stream.indirect.scatter.add.f32 [tilespmem:s22], [sflag:s23], $0x40, s16, s13, $0xb8;
	[tilespmem:$0x15000] =	vst v63  }
.LBB2_5:
0x2b: {  	s22 =	sadd.s32 $0x2, s21  }
0x2c: {  	s23 =	smul.u32 $0xAB, s22;
	_ =	sdelay $0x1  }
0x2d: {  	s23 =	sshrl.u32 s23, $0x9  }
0x2e: {  	s23 =	sand.u32 $0x7F, s23  }
0x2f: {  	s23 =	smul.u32 $0x3, s23;
	_ =	sdelay $0x1  }
0x30: {  	s22 =	ssub.s32 s22, s23  }
0x31: {  	s22 =	sand.u32 $0xFF, s22  }
0x32: {  	s31 =	sshll.u32 s22, $0xD  }
0x33: {  	s22 =	sadd.s32 $0x1, s22;
	s23 =	sadd.s32 $0x5000, s31  }
0x34: {  	[tilespmem:s23], [sflag:s22] =	stream.indirect.gather [hbm4b:s4+s13], $0x40, s19, s13, $0xb8;
	[tilespmem:$0x15000] =	vst v63  }
.LBB2_6:
0x35: {  	s21 =	sadd.s32 $0x1, s21  }
0x36: {  	p0 =	sne.s32 s21, $0x50  }
.Ltmp3:
0x37: {  	_ = 	snop;
	(pc) =	sbr.rel @!p0 .LBB2_7-.Ltmp3, $2  }
0x38: {  	_ =	sdelay $0x2  }
0x39: {  	s20 =	sadd.s32 $0x80, s20;
	s19 =	sadd.s32 $0x80, s19  }
.LBB2_2:
0x3a: {  	s22 =	smul.u32 $0xAB, s21;
	_ =	sdelay $0x1  }
0x3b: {  	s22 =	sshrl.u32 s22, $0x9  }
0x3c: {  	s22 =	sand.u32 $0x7F, s22  }
0x3d: {  	s22 =	smul.u32 $0x3, s22;
	_ =	sdelay $0x1  }
0x3e: {  	p0 =	sne.s32 s21, $0x0;
	s22 =	ssub.s32 s21, s22  }
.Ltmp4:
0x3f: {  	s23 =	sand.u32 $0xFF, s22;
	(pc) =	sbr.rel @!p0 .LBB2_3-.Ltmp4, $4  }
0x40: {  	s24 =	sadd.s32 $0x1, s23  }
0x41: {  	_ =	swait.ge [sflag:s24], $0x2000  }
0x42: {  	s22 =	sshll.u32 s23, $0xD;
	[sflag:s24] =	ssyncset.done $0x0  }
0x43: {  	s23 =	sadd.s32 $0x4, s23;
	s22 =	sadd.s32 $0x5000, s22;
	[sflag:s24] =	ssyncadd.s32 $0xFFFFE000  }
0x44: {  	s24 =	sadd.s32 $0xFFFFFFFF, s21  }
0x45: {  	s25 =	sand.u32 $0xFF, s24  }
0x46: {  	s25 =	smul.u32 $0xAB, s25;
	_ =	sdelay $0x1  }
0x47: {  	s25 =	sshrl.u32 s25, $0x9  }
0x48: {  	s25 =	smul.u32 $0x3, s25;
	_ =	sdelay $0x1  }
0x49: {  	s24 =	ssub.s32 s24, s25  }
0x4a: {  	p0 =	sgt.u32 s21, $0x4D;
	s24 =	sor.u32 $0x4, s24  }
.Ltmp5:
0x4b: {  	s24 =	sand.u32 $0xFF, s24;
	(pc) =	sbr.rel @p0 .LBB2_6-.Ltmp5, $4  }
.Ltmp6:
0x4c: {  	_ =	swait.ge [sflag:s24], $0x2000;
	(pc) =	sbr.rel @!p0 .LBB2_5-.Ltmp6, $4  }
0x4d: {  	[sflag:s24] =	ssyncset.done $0x0  }
0x4e: {  	[sflag:s24] =	ssyncadd.s32 $0xFFFFE000  }
0x4f: {  	[spmem:s2] =	stream.indirect.scatter.add.f32 [tilespmem:s22], [sflag:s23], $0x40, s20, s13, $0xb8;
	[tilespmem:$0x15000] =	vst v63  }
0x50: {  	_ = 	snop  }
.LBB2_8:
0x51: {  	_ =	sfence.sel $0x180000  }
0x52: {  	[bflag:$0x0] =	sbarrier.arrive $0xFFFF  }
0x53: {  	p0 =	sne.s32 s1, $0x0;
	_ =	strace $0x9000004A  }
0x54: {  	s0 =	sadd.s32 @!p0 $0x100000, s0;
	[bflag:$0x2] =	sbarrier.arrive $0xFFFF  }
0x55: {  	[sflag:s0] =	ssyncadd.tile.s32 @!p0 $0x1;
	_ =	shalt  }
.Lfunc_end2:
_tile_overlayer_lowered:
.L_overlay_start_2:
0x56: {  	(tag) =	ssettag $0x2  }
0x57: {  	s0 =	rddreg [dreg:$0x0];
	s2 =	stileid.u32  }
0x58: {  	s1 =	rddreg [dreg:$0x1];
	p0 =	sne.s32 s2, $0x0  }
0x59: {  	s3 =	rddreg [dreg:$0x2];
	[bflag:$0x3] =	sbarrier.arrive $0xFFFF;
	s2 =	simm.s32 @!p0 $0x1C07  }
0x5a: {  	[timem:s3], [sflag:s2] =	dma.local @!p0 [hbm:s0], s1  }
0x5b: {  	s0 =	simm.s32 @!p0 $0x7  }
0x5c: {  	_ =	swait.ge @!p0 [sflag:s0], s1  }
0x5d: {  	s1 =	ssub.s32 @!p0 $0x0, s1;
	[sflag:s0] =	ssyncset.done @!p0 $0x0  }
0x5e: {  	[sflag:s0] =	ssyncadd.s32 @!p0 s1  }
0x5f: {  	[bflag:$0x3] =	sbarrier.arrive $0xFFFF  }
0x60: {  	_ =	shalt  }

// kernel: kernel.15.cloned.1.call-start
scs
__scs_entry_jumppad:
0x0: {  	(pc) =	sbr.rel $0x88, $3  }
0x1: {  	(tag) =	ssettag $0x0;
	lr =	simm.s32 $0x1  }
0x2: {  	[smem:$0x3F9B] =	sst lr;
	_ =	strace $0xD0000000  }
0x3: {  	_ = 	snop  }
0x4: {  	_ = 	snop  }
0x5: {  	_ = 	snop  }
0x6: {  	_ = 	snop  }
0x7: {  	_ = 	snop  }
__scs_overlays_trampoline_lowered:
0x8: {  	[smem:$0x3FAA] =	sst s0  }
0x9: {  	[smem:$0x3FAB] =	sst s1  }
0xa: {  	[smem:$0x3FAC] =	sst s2  }
0xb: {  	[smem:$0x3FAD] =	sst s3  }
0xc: {  	[smem:$0x3FAE] =	sst s4  }
0xd: {  	[smem:$0x3FAF] =	sst s5  }
0xe: {  	[smem:$0x3FB0] =	sst s6  }
0xf: {  	[smem:$0x3FB1] =	sst s7  }
0x10: {  	[smem:$0x3FB2] =	sst s8  }
0x11: {  	[smem:$0x3FB3] =	sst s9;
	s0 =	simm.s32 @!p0 $0x0  }
0x12: {  	s1 =	sld [smem:$0x3F99];
	s0 =	simm.s32 @p0 $0x1  }
0x13: {  	[smem:$0x3FB4] =	sst s0;
	s0 =	simm.s32 @!p1 $0x0  }
0x14: {  	s2 =	sld [smem:$0x3F98];
	s0 =	simm.s32 @p1 $0x1  }
0x15: {  	[smem:$0x3FB5] =	sst s0;
	s0 =	simm.s32 @!p2 $0x0  }
0x16: {  	s3 =	sld [smem:$0x3FDB];
	s0 =	simm.s32 @p2 $0x1  }
0x17: {  	s4 =	simm.s32 $0x1BF5;
	[smem:$0x3FB7] =	sst s0  }
0x18: {  	s0 =	sld [smem:$0x3F9A];
	_ =	swait.ge [sflag:s4], $0x0  }
0x19: {  	s7 =	sld [smem:$0x3F9B]  }
0x1a: {  	s8 =	sadd.s32 $0xFFFFE003, lr  }
0x1b: {  	s9 =	sadd.s32 $0xFFFFFEF7, lr;
	s5 =	simm.s32 $0xFFFFFFFF;
	p2 =	slt.u32 s8, $0xFFFFF086  }
0x1c: {  	p1 =	slt.u32 s9, $0xF7A;
	s5 =	simm.s32 @!p2 $0x0  }
0x1d: {  	s5 =	simm.s32 @p1 $0x1;
	p0 =	seq.s32 s7, s2  }
0x1e: {  	s7 =	smul.u32 @!p0 $0xF7A, s2;
	p2 =	seq.s32 @!p0 s5, $0x0  }
0x1f: {  	s9 =	smul.u32 $0xF7A, s1;
	s8 =	simm.s32 @!p0 $0x1BF5;
	p2 =	por !p2, p0  }
0x20: {  	[sflag:s8] =	ssyncset.s32 @!p0 $0xFFFFF086;
	s6 =	sadd.s32 @!p0 s3, s7;
	s7 =	simm.s32 @!p0 $0x108  }
0x21: {  	s3 =	sadd.s32 s3, s9;
	s6 =	sadd.s32 @!p0 $0x88, s6;
	s7 =	simm.s32 @p2 $0x1082  }
0x22: {  	[simem:s7], [sflag:s8] =	dma.local @!p0 [hbm:s6], $0xF7A  }
0x23: {  	s9 =	sor.u32 $0xD0000000, s2;
	s6 =	simm.s32 $0x108;
	_ =	swait.ge @!p0 [sflag:s8], $0x0  }
0x24: {  	s3 =	sadd.s32 $0x88, s3;
	s6 =	simm.s32 @!p1 $0x1082;
	[sflag:s4] =	ssyncset.s32 $0xFFFFF086  }
0x25: {  	[simem:s6], [sflag:s4] =	dma.local [hbm:s3], $0xF7A  }
0x26: {  	[smem:$0x3F9B] =	sst s1;
	(tag) =	ssettag s2;
	_ =	strace s9  }
0x27: {  	s1 =	sld [smem:$0x3FAB]  }
0x28: {  	s2 =	sld [smem:$0x3FAC]  }
0x29: {  	s4 =	sld [smem:$0x3FAE]  }
0x2a: {  	p0 =	seq.s32 s5, $0x0;
	s5 =	sld [smem:$0x3FAF]  }
0x2b: {  	s6 =	sld [smem:$0x3FB0]  }
0x2c: {  	s7 =	sld [smem:$0x3FB1]  }
0x2d: {  	s3 =	simm.s32 $0x108;
	s8 =	sld [smem:$0x3FB2]  }
0x2e: {  	s3 =	simm.s32 @!p0 $0x1082;
	s9 =	sld [smem:$0x3FB3]  }
0x2f: {  	lr =	sadd.s32 s0, s3;
	s0 =	sld [smem:$0x3FAA]  }
0x30: {  	s3 =	sld [smem:$0x3FAD]  }
0x31: {  	[smem:$0x3FB6] =	sst s10  }
0x32: {  	s10 =	sld [smem:$0x3FB4];
	_ =	sdelay $0x3  }
0x33: {  	p0 =	seq.s32 s10, $0x1;
	s10 =	sld [smem:$0x3FB6];
	_ =	sdelay $0x3  }
0x34: {  	[smem:$0x3FB6] =	sst s10  }
0x35: {  	s10 =	sld [smem:$0x3FB5];
	_ =	sdelay $0x3  }
0x36: {  	p1 =	seq.s32 s10, $0x1;
	s10 =	sld [smem:$0x3FB6];
	_ =	sdelay $0x3  }
0x37: {  	[smem:$0x3FB6] =	sst s10  }
0x38: {  	s10 =	sld [smem:$0x3FB7]  }
0x39: {  	_ = 	snop;
	(pc) =	sbr.ind lr, $3  }
0x3a: {  	_ = 	snop  }
0x3b: {  	_ = 	snop  }
0x3c: {  	p2 =	seq.s32 s10, $0x1;
	s10 =	sld [smem:$0x3FB6]  }
0x3d: {  	_ =	shalt  }
0x3e: {  	_ =	shalt  }
0x3f: {  	_ =	shalt  }
0x40: {  	_ =	shalt  }
0x41: {  	_ =	shalt  }
0x42: {  	_ =	shalt  }
0x43: {  	_ =	shalt  }
0x44: {  	_ =	shalt  }
0x45: {  	_ =	shalt  }
0x46: {  	_ =	shalt  }
0x47: {  	_ =	shalt  }
0x48: {  	_ =	shalt  }
0x49: {  	_ =	shalt  }
0x4a: {  	_ =	shalt  }
0x4b: {  	_ =	shalt  }
0x4c: {  	_ =	shalt  }
0x4d: {  	_ =	shalt  }
0x4e: {  	_ =	shalt  }
0x4f: {  	_ =	shalt  }
0x50: {  	_ =	shalt  }
0x51: {  	_ =	shalt  }
0x52: {  	_ =	shalt  }
0x53: {  	_ =	shalt  }
0x54: {  	_ =	shalt  }
0x55: {  	_ =	shalt  }
0x56: {  	_ =	shalt  }
0x57: {  	_ =	shalt  }
0x58: {  	_ =	shalt  }
0x59: {  	_ =	shalt  }
0x5a: {  	_ =	shalt  }
0x5b: {  	_ =	shalt  }
0x5c: {  	_ =	shalt  }
0x5d: {  	_ =	shalt  }
0x5e: {  	_ =	shalt  }
0x5f: {  	_ =	shalt  }
0x60: {  	_ =	shalt  }
0x61: {  	_ =	shalt  }
0x62: {  	_ =	shalt  }
0x63: {  	_ =	shalt  }
0x64: {  	_ =	shalt  }
0x65: {  	_ =	shalt  }
0x66: {  	_ =	shalt  }
0x67: {  	_ =	shalt  }
0x68: {  	_ =	shalt  }
0x69: {  	_ =	shalt  }
0x6a: {  	_ =	shalt  }
0x6b: {  	_ =	shalt  }
0x6c: {  	_ =	shalt  }
0x6d: {  	_ =	shalt  }
0x6e: {  	_ =	shalt  }
0x6f: {  	_ =	shalt  }
0x70: {  	_ =	shalt  }
0x71: {  	_ =	shalt  }
0x72: {  	_ =	shalt  }
0x73: {  	_ =	shalt  }
0x74: {  	_ =	shalt  }
0x75: {  	_ =	shalt  }
0x76: {  	_ =	shalt  }
0x77: {  	_ =	shalt  }
0x78: {  	_ =	shalt  }
0x79: {  	_ =	shalt  }
0x7a: {  	_ =	shalt  }
0x7b: {  	_ =	shalt  }
0x7c: {  	_ =	shalt  }
0x7d: {  	_ =	shalt  }
0x7e: {  	_ =	shalt  }
0x7f: {  	_ =	shalt  }
0x80: {  	_ =	shalt  }
0x81: {  	_ =	shalt  }
0x82: {  	_ =	shalt  }
0x83: {  	_ =	shalt  }
0x84: {  	_ =	shalt  }
0x85: {  	_ =	shalt  }
0x86: {  	_ =	shalt  }
0x87: {  	_ =	shalt  }
.Lfunc_end0:
.L_simem_size_0:
called_computation.2_lowered:
.L_overlay_start_0:
0x88: {  	s2 =	sld [smem:$0x3FD9]  }
0x89: {  	s3 =	sld [smem:$0x3FFE];
	_ =	sdelay $0x1  }
0x8a: {  	s1 =	srdreg.scid  }
0x8b: {  	s0 =	sand.u32 $0x1, s1  }
0x8c: {  	s17 =	sshll.u32 s0, $0xA;
	s2 =	sadd.s32 s3, s2  }
0x8d: {  	s2 =	sadd.s32 s2, s17  }
0x8e: {  	[smem:$0x3FC2] =	sst s2  }
0x8f: {  	_ = 	snop  }
0x90: {  	s2 =	sld [smem:$0x3FD0];
	(tm) =	ssettm $0x1  }
0x91: {  	s18 =	sld [smem:$0x3FFB];
	_ =	sdelay $0x3  }
0x92: {  	_ =	strace s18  }
0x93: {  	s3 =	sld [smem:$0x3FFC];
	_ =	sdelay $0x3  }
0x94: {  	_ =	strace s3  }
0x95: {  	s3 =	sld [smem:$0x3FFD];
	_ =	sdelay $0x3  }
0x96: {  	_ =	strace s3  }
0x97: {  	_ =	strace $0x8FFFFFFF  }
0x98: {  	s19 =	sld [smem:$0x3FDB];
	_ =	sdelay $0x1  }
0x99: {  	s4 =	simm.s32 $_scs_section_size  }
0x9a: {  	s5 =	simm.s32 $_size__tile_overlayer_lowered;
	s6 =	simm.s32 $_tile_overlayer_lowered  }
0x9b: {  	s22 =	simm.s32 $0x1BFF;
	s21 =	sshll.u32 s6, $0x1;
	s3 =	sadd.s32 s4, s19  }
0x9c: {  	s7 =	simm.s32 $0x0;
	s20 =	sshll.u32 s5, $0x1;
	s5 =	sadd.s32 s21, s3  }
0x9d: {  	[timem:s7], [sflag:s22] =	dma.local [hbm:s5], s20  }
0x9e: {  	_ =	swait.ge [sflag:s22], s20  }
0x9f: {  	s4 =	ssub.s32 $0x0, s20;
	[sflag:s22] =	ssyncset.done $0x0  }
0xa0: {  	[sflag:s22] =	ssyncadd.s32 s4;
	_ =	sdelay $0x1  }
0xa1: {  	s23 =	simm.s32 $0x1B8B  }
0xa2: {  	_ =	swait.ge [sflag:s23], $0x1  }
0xa3: {  	[sflag:s23] =	ssyncset.done $0x0  }
0xa4: {  	s25 =	simm.s32 $0x1B8E;
	s24 =	sld [smem:$0x3FFE];
	[sflag:s23] =	ssyncadd.s32 $0xFFFFFFFF  }
0xa5: {  	s26 =	simm.s32 $execute0_lowered;
	[smem:$0x3FD2] =	sst s25  }
0xa6: {  	s5 =	sshll.u32 s26, $0x1;
	_ =	strace $0x8000004C;
	[dreg:$0x1] =	wrdreg $0xFFFFFFFF  }
0xa7: {  	s28 =	simm.s32 $_size_execute0_lowered;
	s3 =	sadd.s32 s3, s5;
	[dreg:$0x0] =	wrdreg $0x0  }
0xa8: {  	s5 =	sshll.u32 s28, $0x1;
	[dreg:$0x2] =	wrdreg s3  }
0xa9: {  	[dreg:$0x3] =	wrdreg s5  }
0xaa: {  	[dreg:$0x4] =	wrdreg $0xC0  }
0xab: {  	_ =	task [dreg:s7], $0x5FFFF  }
0xac: {  	[dreg:$0x1] =	wrdreg $0xFFFFFFFF  }
0xad: {  	[dreg:$0x0] =	wrdreg $0x60  }
0xae: {  	[dreg:$0x2] =	wrdreg s24  }
0xaf: {  	[dreg:$0x3] =	wrdreg s2  }
0xb0: {  	[dreg:$0x4] =	wrdreg $0xB0000  }
0xb1: {  	[dreg:$0x5] =	wrdreg $0x9  }
0xb2: {  	_ =	task.clear_ibuf [dreg:s7], $0x6FFFF;
	_ =	strace $0x9000004C  }
0xb3: {  	s29 =	simm.s32 $0x9;
	_ =	strace $0x8000004E  }
0xb4: {  	_ =	swait.ge [sflag:s29], $0x1  }
0xb5: {  	[sflag:s29] =	ssyncadd.s32 $0xFFFFFFFF  }
0xb6: {  	_ =	strace $0x9000004E  }
0xb7: {  	_ =	sfence  }
0xb8: {  	s30 =	sld [smem:$0x0];
	_ =	sdelay $0x2  }
0xb9: {  	s31 =	sshll.u32 s1, $0xD;
	s1 =	sshrl.u32 s1, $0x2  }
0xba: {  	s3 =	sand.u32 $0x4000, s31;
	s1 =	sadd.s32 s1, s30  }
0xbb: {  	s0 =	sor.u32 s3, s0;
	s1 =	sshll.u32 s1, $0x11  }
0xbc: {  	s0 =	sor.u32 s1, s0  }
0xbd: {  	s0 =	sadd.s32 $0x8F2B, s0  }
0xbe: {  	[sflag:s0] =	ssyncadd.remote.s32 $0x1  }
0xbf: {  	_ =	sfence.sel $0xFFFF  }
0xc0: {  	[dreg:$0x0] =	wrdreg $0xFFFFFFFF;
	(pc) =	sbr.abs _section_cstart, $3  }
0xc1: {  	[dreg:$0x1] =	wrdreg $0xFFFFFFFF  }
0xc2: {  	_ =	task.clear_ibuf [dreg:s7], $0x2FFFF;
	_ =	strace $0x9FFFFFFF  }
0xc3: {  	(tm) =	ssettm $0x7FFFFFFF  }
tec
execute0_lowered:
.L_overlay_start_1:
0x0: {  	(tag) =	ssettag $0x1  }
0x1: {  	s5 =	rddreg [dreg:$0x0]  }
0x2: {  	s6 =	rddreg [dreg:$0x1]  }
0x3: {  	s2 =	rddreg [dreg:$0x2]  }
0x4: {  	s0 =	rddreg [dreg:$0x3]  }
0x5: {  	s1 =	stileid.u32;
	s4 =	srdreg.scid  }
0x6: {  	s3 =	simm.s32 $0x0;
	s14 =	simm.s32 $0x5000;
	s15 =	simm.s32 $0x7000  }
0x7: {  	s16 =	simm.s32 $0x2800;
	s17 =	simm.s32 $0x5;
	s18 =	simm.s32 $0x0  }
0x8: {  	s7 =	smul.u32 $0xA000, s1;
	s8 =	sand.u32 $0x1, s4;
	[smem:$0x7FF] =	sst s3  }
0x9: {  	s4 =	sadd.s32 $0x2000, s5;
	s10 =	sshll.u32 s1, $0x1;
	s31 =	sshll.u32 s1, $0x6  }
0xa: {  	s9 =	smul.u32 $0xA0000, s8;
	_ =	strace $0x8000004D;
	s10 =	sor.u32 s8, s10  }
0xb: {  	s8 =	ssub.s32 $0x2, s8;
	s11 =	sshrl.u32 s7, $0x3;
	s10 =	smul.u32 $0x2800, s10  }
0xc: {  	s29 =	sshrl.u32 s8, $0x1;
	s13 =	sadd.s32 s7, s2;
	s9 =	sadd.s32 s7, s9  }
.Ltmp0:
0xd: {  	s11 =	sadd.s32 s11, s5;
	s12 =	ssub.s32 s8, s29;
	(pc) =	sbr.rel .LBB2_1-.Ltmp0, $4  }
0xe: {  	s7 =	sor.u32 $0x1C07, s31;
	s9 =	sshrl.u32 s9, $0x3;
	s30 =	sshrl.u32 s10, $0x3  }
0xf: {  	s10 =	smax.u32 s12, $0x1;
	s12 =	simm.s32 $0x7;
	s9 =	sadd.s32 s9, s5  }
0x10: {  	s5 =	sadd.s32 $0x15A00, s11;
	s6 =	sadd.s32 s6, s30;
	s11 =	sshrl.u32 s13, $0x3  }
0x11: {  	s13 =	simm.s32 $0x80;
	s8 =	sadd.s32 $0xA000, s6;
	s9 =	sadd.s32 $0x29A00, s9  }
.LBB2_7:
0x12: {  	_ =	swait.ge [sflag:s17], $0x2000  }
0x13: {  	s18 =	sadd.s32 $0x1, s18;
	[sflag:s17] =	ssyncset.done $0x0  }
0x14: {  	p0 =	sne.s32 s18, s10;
	[sflag:s17] =	ssyncadd.s32 $0xFFFFE000  }
.Ltmp1:
0x15: {  	[bflag:$0x0] =	sbarrier.arrive $0xFFFF;
	(pc) =	sbr.rel @!p0 .LBB2_8-.Ltmp1, $4  }
0x16: {  	[hbm:s9], [sflag:s7] =	dma.local [spmem:s11], $0x1400  }
0x17: {  	_ =	swait.ge [sflag:s12], $0x1400  }
0x18: {  	[sflag:s12] =	ssyncset.done $0x0  }
0x19: {  	[sflag:s12] =	ssyncadd.s32 $0xFFFFEC00  }
.LBB2_1:
0x1a: {  	[spmem:s11], [sflag:s7] =	dma.local [hbm:s5], $0x1400  }
0x1b: {  	_ =	swait.ge [sflag:s12], $0x1400  }
0x1c: {  	[sflag:s12] =	ssyncset.done $0x0  }
0x1d: {  	[sflag:s12] =	ssyncadd.s32 $0xFFFFEC00  }
0x1e: {  	[tilespmem:s3], [sflag:$0x7] =	stream.linear.gather [hbm4b:s6+s3], $0x2800, $0x38;
	[tilespmem:$0x15000] =	vst v63  }
0x1f: {  	_ =	swait.ge [sflag:s12], $0x2800  }
0x20: {  	[sflag:s12] =	ssyncset.done $0x0  }
0x21: {  	[sflag:s12] =	ssyncadd.s32 $0xFFFFD800  }
0x22: {  	[tilespmem:s16], [sflag:$0x7] =	stream.linear.gather [hbm4b:s8+s3], $0x2800, $0x38;
	[tilespmem:$0x15000] =	vst v63  }
0x23: {  	_ =	swait.ge [sflag:s12], $0x2800  }
0x24: {  	[sflag:s12] =	ssyncset.done $0x0  }
.Ltmp2:
0x25: {  	[sflag:s12] =	ssyncadd.s32 $0xFFFFD800;
	(pc) =	sbr.rel .LBB2_2-.Ltmp2, $4  }
0x26: {  	[bflag:$0x0] =	sbarrier.arrive $0xFFFF  }
0x27: {  	[tilespmem:s14], [sflag:$0x1] =	stream.indirect.gather [hbm4b:s4+s13], $0x40, s3, s13, $0xb8;
	[tilespmem:$0x15000] =	vst v63  }
0x28: {  	s19 =	simm.s32 $0x100;
	s20 =	simm.s32 $0x2800;
	s21 =	simm.s32 $0x0  }
0x29: {  	[tilespmem:s15], [sflag:$0x2] =	stream.indirect.gather [hbm4b:s4+s13], $0x40, s13, s13, $0xb8;
	[tilespmem:$0x15000] =	vst v63  }
.LBB2_3:
0x2a: {  	[spmem:s2] =	stream.indirect.scatter.add.f32 [tilespmem:s22], [sflag:s23], $0x40, s16, s13, $0xb8;
	[tilespmem:$0x15000] =	vst v63  }
.LBB2_5:
0x2b: {  	s22 =	sadd.s32 $0x2, s21  }
0x2c: {  	s23 =	smul.u32 $0xAB, s22;
	_ =	sdelay $0x1  }
0x2d: {  	s23 =	sshrl.u32 s23, $0x9  }
0x2e: {  	s23 =	sand.u32 $0x7F, s23  }
0x2f: {  	s23 =	smul.u32 $0x3, s23;
	_ =	sdelay $0x1  }
0x30: {  	s22 =	ssub.s32 s22, s23  }
0x31: {  	s22 =	sand.u32 $0xFF, s22  }
0x32: {  	s31 =	sshll.u32 s22, $0xD  }
0x33: {  	s22 =	sadd.s32 $0x1, s22;
	s23 =	sadd.s32 $0x5000, s31  }
0x34: {  	[tilespmem:s23], [sflag:s22] =	stream.indirect.gather [hbm4b:s4+s13], $0x40, s19, s13, $0xb8;
	[tilespmem:$0x15000] =	vst v63  }
.LBB2_6:
0x35: {  	s21 =	sadd.s32 $0x1, s21  }
0x36: {  	p0 =	sne.s32 s21, $0x50  }
.Ltmp3:
0x37: {  	_ = 	snop;
	(pc) =	sbr.rel @!p0 .LBB2_7-.Ltmp3, $2  }
0x38: {  	_ =	sdelay $0x2  }
0x39: {  	s20 =	sadd.s32 $0x80, s20;
	s19 =	sadd.s32 $0x80, s19  }
.LBB2_2:
0x3a: {  	s22 =	smul.u32 $0xAB, s21;
	_ =	sdelay $0x1  }
0x3b: {  	s22 =	sshrl.u32 s22, $0x9  }
0x3c: {  	s22 =	sand.u32 $0x7F, s22  }
0x3d: {  	s22 =	smul.u32 $0x3, s22;
	_ =	sdelay $0x1  }
0x3e: {  	p0 =	sne.s32 s21, $0x0;
	s22 =	ssub.s32 s21, s22  }
.Ltmp4:
0x3f: {  	s23 =	sand.u32 $0xFF, s22;
	(pc) =	sbr.rel @!p0 .LBB2_3-.Ltmp4, $4  }
0x40: {  	s24 =	sadd.s32 $0x1, s23  }
0x41: {  	_ =	swait.ge [sflag:s24], $0x2000  }
0x42: {  	s22 =	sshll.u32 s23, $0xD;
	[sflag:s24] =	ssyncset.done $0x0  }
0x43: {  	s23 =	sadd.s32 $0x4, s23;
	s22 =	sadd.s32 $0x5000, s22;
	[sflag:s24] =	ssyncadd.s32 $0xFFFFE000  }
0x44: {  	s24 =	sadd.s32 $0xFFFFFFFF, s21  }
0x45: {  	s25 =	sand.u32 $0xFF, s24  }
0x46: {  	s25 =	smul.u32 $0xAB, s25;
	_ =	sdelay $0x1  }
0x47: {  	s25 =	sshrl.u32 s25, $0x9  }
0x48: {  	s25 =	smul.u32 $0x3, s25;
	_ =	sdelay $0x1  }
0x49: {  	s24 =	ssub.s32 s24, s25  }
0x4a: {  	p0 =	sgt.u32 s21, $0x4D;
	s24 =	sor.u32 $0x4, s24  }
.Ltmp5:
0x4b: {  	s24 =	sand.u32 $0xFF, s24;
	(pc) =	sbr.rel @p0 .LBB2_6-.Ltmp5, $4  }
.Ltmp6:
0x4c: {  	_ =	swait.ge [sflag:s24], $0x2000;
	(pc) =	sbr.rel @!p0 .LBB2_5-.Ltmp6, $4  }
0x4d: {  	[sflag:s24] =	ssyncset.done $0x0  }
0x4e: {  	[sflag:s24] =	ssyncadd.s32 $0xFFFFE000  }
0x4f: {  	[spmem:s2] =	stream.indirect.scatter.add.f32 [tilespmem:s22], [sflag:s23], $0x40, s20, s13, $0xb8;
	[tilespmem:$0x15000] =	vst v63  }
0x50: {  	_ = 	snop  }
.LBB2_8:
0x51: {  	_ =	sfence.sel $0x180000  }
0x52: {  	[bflag:$0x0] =	sbarrier.arrive $0xFFFF  }
0x53: {  	p0 =	sne.s32 s1, $0x0;
	_ =	strace $0x9000004D  }
0x54: {  	s0 =	sadd.s32 @!p0 $0x100000, s0;
	[bflag:$0x2] =	sbarrier.arrive $0xFFFF  }
0x55: {  	[sflag:s0] =	ssyncadd.tile.s32 @!p0 $0x1;
	_ =	shalt  }
.Lfunc_end2:
_tile_overlayer_lowered:
.L_overlay_start_2:
0x56: {  	(tag) =	ssettag $0x2  }
0x57: {  	s0 =	rddreg [dreg:$0x0];
	s2 =	stileid.u32  }
0x58: {  	s1 =	rddreg [dreg:$0x1];
	p0 =	sne.s32 s2, $0x0  }
0x59: {  	s3 =	rddreg [dreg:$0x2];
	[bflag:$0x3] =	sbarrier.arrive $0xFFFF;
	s2 =	simm.s32 @!p0 $0x1C07  }
0x5a: {  	[timem:s3], [sflag:s2] =	dma.local @!p0 [hbm:s0], s1  }
0x5b: {  	s0 =	simm.s32 @!p0 $0x7  }
0x5c: {  	_ =	swait.ge @!p0 [sflag:s0], s1  }
0x5d: {  	s1 =	ssub.s32 @!p0 $0x0, s1;
	[sflag:s0] =	ssyncset.done @!p0 $0x0  }
0x5e: {  	[sflag:s0] =	ssyncadd.s32 @!p0 s1  }
0x5f: {  	[bflag:$0x3] =	sbarrier.arrive $0xFFFF  }
0x60: {  	_ =	shalt  }

// kernel: kernel.9.cloned.1.call-start
scs
__scs_entry_jumppad:
0x0: {  	(pc) =	sbr.rel $0x88, $3  }
0x1: {  	(tag) =	ssettag $0x0;
	lr =	simm.s32 $0x1  }
0x2: {  	[smem:$0x3F9B] =	sst lr;
	_ =	strace $0xD0000000  }
0x3: {  	_ = 	snop  }
0x4: {  	_ = 	snop  }
0x5: {  	_ = 	snop  }
0x6: {  	_ = 	snop  }
0x7: {  	_ = 	snop  }
__scs_overlays_trampoline_lowered:
0x8: {  	[smem:$0x3FAA] =	sst s0  }
0x9: {  	[smem:$0x3FAB] =	sst s1  }
0xa: {  	[smem:$0x3FAC] =	sst s2  }
0xb: {  	[smem:$0x3FAD] =	sst s3  }
0xc: {  	[smem:$0x3FAE] =	sst s4  }
0xd: {  	[smem:$0x3FAF] =	sst s5  }
0xe: {  	[smem:$0x3FB0] =	sst s6  }
0xf: {  	[smem:$0x3FB1] =	sst s7  }
0x10: {  	[smem:$0x3FB2] =	sst s8  }
0x11: {  	[smem:$0x3FB3] =	sst s9;
	s0 =	simm.s32 @!p0 $0x0  }
0x12: {  	s1 =	sld [smem:$0x3F99];
	s0 =	simm.s32 @p0 $0x1  }
0x13: {  	[smem:$0x3FB4] =	sst s0;
	s0 =	simm.s32 @!p1 $0x0  }
0x14: {  	s2 =	sld [smem:$0x3F98];
	s0 =	simm.s32 @p1 $0x1  }
0x15: {  	[smem:$0x3FB5] =	sst s0;
	s0 =	simm.s32 @!p2 $0x0  }
0x16: {  	s3 =	sld [smem:$0x3FDB];
	s0 =	simm.s32 @p2 $0x1  }
0x17: {  	s4 =	simm.s32 $0x1BF5;
	[smem:$0x3FB7] =	sst s0  }
0x18: {  	s0 =	sld [smem:$0x3F9A];
	_ =	swait.ge [sflag:s4], $0x0  }
0x19: {  	s7 =	sld [smem:$0x3F9B]  }
0x1a: {  	s8 =	sadd.s32 $0xFFFFE003, lr  }
0x1b: {  	s9 =	sadd.s32 $0xFFFFFEF7, lr;
	s5 =	simm.s32 $0xFFFFFFFF;
	p2 =	slt.u32 s8, $0xFFFFF086  }
0x1c: {  	p1 =	slt.u32 s9, $0xF7A;
	s5 =	simm.s32 @!p2 $0x0  }
0x1d: {  	s5 =	simm.s32 @p1 $0x1;
	p0 =	seq.s32 s7, s2  }
0x1e: {  	s7 =	smul.u32 @!p0 $0xF7A, s2;
	p2 =	seq.s32 @!p0 s5, $0x0  }
0x1f: {  	s9 =	smul.u32 $0xF7A, s1;
	s8 =	simm.s32 @!p0 $0x1BF5;
	p2 =	por !p2, p0  }
0x20: {  	[sflag:s8] =	ssyncset.s32 @!p0 $0xFFFFF086;
	s6 =	sadd.s32 @!p0 s3, s7;
	s7 =	simm.s32 @!p0 $0x108  }
0x21: {  	s3 =	sadd.s32 s3, s9;
	s6 =	sadd.s32 @!p0 $0x88, s6;
	s7 =	simm.s32 @p2 $0x1082  }
0x22: {  	[simem:s7], [sflag:s8] =	dma.local @!p0 [hbm:s6], $0xF7A  }
0x23: {  	s9 =	sor.u32 $0xD0000000, s2;
	s6 =	simm.s32 $0x108;
	_ =	swait.ge @!p0 [sflag:s8], $0x0  }
0x24: {  	s3 =	sadd.s32 $0x88, s3;
	s6 =	simm.s32 @!p1 $0x1082;
	[sflag:s4] =	ssyncset.s32 $0xFFFFF086  }
0x25: {  	[simem:s6], [sflag:s4] =	dma.local [hbm:s3], $0xF7A  }
0x26: {  	[smem:$0x3F9B] =	sst s1;
	(tag) =	ssettag s2;
	_ =	strace s9  }
0x27: {  	s1 =	sld [smem:$0x3FAB]  }
0x28: {  	s2 =	sld [smem:$0x3FAC]  }
0x29: {  	s4 =	sld [smem:$0x3FAE]  }
0x2a: {  	p0 =	seq.s32 s5, $0x0;
	s5 =	sld [smem:$0x3FAF]  }
0x2b: {  	s6 =	sld [smem:$0x3FB0]  }
0x2c: {  	s7 =	sld [smem:$0x3FB1]  }
0x2d: {  	s3 =	simm.s32 $0x108;
	s8 =	sld [smem:$0x3FB2]  }
0x2e: {  	s3 =	simm.s32 @!p0 $0x1082;
	s9 =	sld [smem:$0x3FB3]  }
0x2f: {  	lr =	sadd.s32 s0, s3;
	s0 =	sld [smem:$0x3FAA]  }
0x30: {  	s3 =	sld [smem:$0x3FAD]  }
0x31: {  	[smem:$0x3FB6] =	sst s10  }
0x32: {  	s10 =	sld [smem:$0x3FB4];
	_ =	sdelay $0x3  }
0x33: {  	p0 =	seq.s32 s10, $0x1;
	s10 =	sld [smem:$0x3FB6];
	_ =	sdelay $0x3  }
0x34: {  	[smem:$0x3FB6] =	sst s10  }
0x35: {  	s10 =	sld [smem:$0x3FB5];
	_ =	sdelay $0x3  }
0x36: {  	p1 =	seq.s32 s10, $0x1;
	s10 =	sld [smem:$0x3FB6];
	_ =	sdelay $0x3  }
0x37: {  	[smem:$0x3FB6] =	sst s10  }
0x38: {  	s10 =	sld [smem:$0x3FB7]  }
0x39: {  	_ = 	snop;
	(pc) =	sbr.ind lr, $3  }
0x3a: {  	_ = 	snop  }
0x3b: {  	_ = 	snop  }
0x3c: {  	p2 =	seq.s32 s10, $0x1;
	s10 =	sld [smem:$0x3FB6]  }
0x3d: {  	_ =	shalt  }
0x3e: {  	_ =	shalt  }
0x3f: {  	_ =	shalt  }
0x40: {  	_ =	shalt  }
0x41: {  	_ =	shalt  }
0x42: {  	_ =	shalt  }
0x43: {  	_ =	shalt  }
0x44: {  	_ =	shalt  }
0x45: {  	_ =	shalt  }
0x46: {  	_ =	shalt  }
0x47: {  	_ =	shalt  }
0x48: {  	_ =	shalt  }
0x49: {  	_ =	shalt  }
0x4a: {  	_ =	shalt  }
0x4b: {  	_ =	shalt  }
0x4c: {  	_ =	shalt  }
0x4d: {  	_ =	shalt  }
0x4e: {  	_ =	shalt  }
0x4f: {  	_ =	shalt  }
0x50: {  	_ =	shalt  }
0x51: {  	_ =	shalt  }
0x52: {  	_ =	shalt  }
0x53: {  	_ =	shalt  }
0x54: {  	_ =	shalt  }
0x55: {  	_ =	shalt  }
0x56: {  	_ =	shalt  }
0x57: {  	_ =	shalt  }
0x58: {  	_ =	shalt  }
0x59: {  	_ =	shalt  }
0x5a: {  	_ =	shalt  }
0x5b: {  	_ =	shalt  }
0x5c: {  	_ =	shalt  }
0x5d: {  	_ =	shalt  }
0x5e: {  	_ =	shalt  }
0x5f: {  	_ =	shalt  }
0x60: {  	_ =	shalt  }
0x61: {  	_ =	shalt  }
0x62: {  	_ =	shalt  }
0x63: {  	_ =	shalt  }
0x64: {  	_ =	shalt  }
0x65: {  	_ =	shalt  }
0x66: {  	_ =	shalt  }
0x67: {  	_ =	shalt  }
0x68: {  	_ =	shalt  }
0x69: {  	_ =	shalt  }
0x6a: {  	_ =	shalt  }
0x6b: {  	_ =	shalt  }
0x6c: {  	_ =	shalt  }
0x6d: {  	_ =	shalt  }
0x6e: {  	_ =	shalt  }
0x6f: {  	_ =	shalt  }
0x70: {  	_ =	shalt  }
0x71: {  	_ =	shalt  }
0x72: {  	_ =	shalt  }
0x73: {  	_ =	shalt  }
0x74: {  	_ =	shalt  }
0x75: {  	_ =	shalt  }
0x76: {  	_ =	shalt  }
0x77: {  	_ =	shalt  }
0x78: {  	_ =	shalt  }
0x79: {  	_ =	shalt  }
0x7a: {  	_ =	shalt  }
0x7b: {  	_ =	shalt  }
0x7c: {  	_ =	shalt  }
0x7d: {  	_ =	shalt  }
0x7e: {  	_ =	shalt  }
0x7f: {  	_ =	shalt  }
0x80: {  	_ =	shalt  }
0x81: {  	_ =	shalt  }
0x82: {  	_ =	shalt  }
0x83: {  	_ =	shalt  }
0x84: {  	_ =	shalt  }
0x85: {  	_ =	shalt  }
0x86: {  	_ =	shalt  }
0x87: {  	_ =	shalt  }
.Lfunc_end0:
.L_simem_size_0:
called_computation_lowered:
.L_overlay_start_0:
0x88: {  	s2 =	sld [smem:$0x3FD9]  }
0x89: {  	s3 =	sld [smem:$0x3FFE];
	_ =	sdelay $0x1  }
0x8a: {  	s1 =	srdreg.scid  }
0x8b: {  	s0 =	sand.u32 $0x1, s1  }
0x8c: {  	s17 =	sshll.u32 s0, $0xA;
	s2 =	sadd.s32 s3, s2  }
0x8d: {  	s2 =	sadd.s32 s2, s17  }
0x8e: {  	[smem:$0x3FC2] =	sst s2  }
0x8f: {  	_ = 	snop  }
0x90: {  	s2 =	sld [smem:$0x3FD0];
	(tm) =	ssettm $0x1  }
0x91: {  	s18 =	sld [smem:$0x3FFB];
	_ =	sdelay $0x3  }
0x92: {  	_ =	strace s18  }
0x93: {  	s3 =	sld [smem:$0x3FFC];
	_ =	sdelay $0x3  }
0x94: {  	_ =	strace s3  }
0x95: {  	s3 =	sld [smem:$0x3FFD];
	_ =	sdelay $0x3  }
0x96: {  	_ =	strace s3  }
0x97: {  	_ =	strace $0x8FFFFFFF  }
0x98: {  	s19 =	sld [smem:$0x3FDB];
	_ =	sdelay $0x1  }
0x99: {  	s4 =	simm.s32 $_scs_section_size  }
0x9a: {  	s5 =	simm.s32 $_size__tile_overlayer_lowered;
	s6 =	simm.s32 $_tile_overlayer_lowered  }
0x9b: {  	s22 =	simm.s32 $0x1BFF;
	s21 =	sshll.u32 s6, $0x1;
	s3 =	sadd.s32 s4, s19  }
0x9c: {  	s7 =	simm.s32 $0x0;
	s20 =	sshll.u32 s5, $0x1;
	s5 =	sadd.s32 s21, s3  }
0x9d: {  	[timem:s7], [sflag:s22] =	dma.local [hbm:s5], s20  }
0x9e: {  	_ =	swait.ge [sflag:s22], s20  }
0x9f: {  	s4 =	ssub.s32 $0x0, s20;
	[sflag:s22] =	ssyncset.done $0x0  }
0xa0: {  	[sflag:s22] =	ssyncadd.s32 s4;
	_ =	sdelay $0x1  }
0xa1: {  	s23 =	simm.s32 $0x1B8B  }
0xa2: {  	_ =	swait.ge [sflag:s23], $0x1  }
0xa3: {  	[sflag:s23] =	ssyncset.done $0x0  }
0xa4: {  	s25 =	simm.s32 $0x1B8E;
	s24 =	sld [smem:$0x3FFE];
	[sflag:s23] =	ssyncadd.s32 $0xFFFFFFFF  }
0xa5: {  	s26 =	simm.s32 $execute0_lowered;
	[smem:$0x3FD2] =	sst s25  }
0xa6: {  	s5 =	sshll.u32 s26, $0x1;
	_ =	strace $0x80000046;
	[dreg:$0x1] =	wrdreg $0xFFFFFFFF  }
0xa7: {  	s28 =	simm.s32 $_size_execute0_lowered;
	s3 =	sadd.s32 s3, s5;
	[dreg:$0x0] =	wrdreg $0x0  }
0xa8: {  	s5 =	sshll.u32 s28, $0x1;
	[dreg:$0x2] =	wrdreg s3  }
0xa9: {  	[dreg:$0x3] =	wrdreg s5  }
0xaa: {  	[dreg:$0x4] =	wrdreg $0xC0  }
0xab: {  	_ =	task [dreg:s7], $0x5FFFF  }
0xac: {  	[dreg:$0x1] =	wrdreg $0xFFFFFFFF  }
0xad: {  	[dreg:$0x0] =	wrdreg $0x60  }
0xae: {  	[dreg:$0x2] =	wrdreg s2  }
0xaf: {  	[dreg:$0x3] =	wrdreg s24  }
0xb0: {  	[dreg:$0x4] =	wrdreg $0x9  }
0xb1: {  	_ =	task.clear_ibuf [dreg:s7], $0x5FFFF;
	_ =	strace $0x90000046  }
0xb2: {  	s29 =	simm.s32 $0x9;
	_ =	strace $0x80000048  }
0xb3: {  	_ =	swait.ge [sflag:s29], $0x1  }
0xb4: {  	[sflag:s29] =	ssyncadd.s32 $0xFFFFFFFF  }
0xb5: {  	_ =	strace $0x90000048  }
0xb6: {  	_ =	sfence  }
0xb7: {  	s30 =	sld [smem:$0x0];
	_ =	sdelay $0x2  }
0xb8: {  	s31 =	sshll.u32 s1, $0xD;
	s1 =	sshrl.u32 s1, $0x2  }
0xb9: {  	s3 =	sand.u32 $0x4000, s31;
	s1 =	sadd.s32 s1, s30  }
0xba: {  	s0 =	sor.u32 s3, s0;
	s1 =	sshll.u32 s1, $0x11  }
0xbb: {  	s0 =	sor.u32 s1, s0  }
0xbc: {  	s0 =	sadd.s32 $0x8F2B, s0  }
0xbd: {  	[sflag:s0] =	ssyncadd.remote.s32 $0x1  }
0xbe: {  	_ =	sfence.sel $0xFFFF  }
0xbf: {  	[dreg:$0x0] =	wrdreg $0xFFFFFFFF;
	(pc) =	sbr.abs _section_cstart, $3  }
0xc0: {  	[dreg:$0x1] =	wrdreg $0xFFFFFFFF  }
0xc1: {  	_ =	task.clear_ibuf [dreg:s7], $0x2FFFF;
	_ =	strace $0x9FFFFFFF  }
0xc2: {  	(tm) =	ssettm $0x7FFFFFFF  }
0xc3: {  	_ =	shalt  }
tec
execute0_lowered:
.L_overlay_start_1:
0x0: {  	(tag) =	ssettag $0x1  }
0x1: {  	s4 =	rddreg [dreg:$0x0];
	s1 =	srdreg.scid  }
0x2: {  	s0 =	stileid.u32;
	s5 =	rddreg [dreg:$0x1];
	s2 =	simm.s32 $0x0  }
0x3: {  	s3 =	sand.u32 $0x1, s1;
	s6 =	sshll.u32 s0, $0x1;
	s1 =	rddreg [dreg:$0x2]  }
0x4: {  	[smem:$0x7FF] =	sst s2;
	s6 =	sor.u32 s3, s6;
	s8 =	ssub.s32 $0x2, s3  }
0x5: {  	_ =	strace $0x80000047;
	s7 =	smul.u32 $0x2800, s6;
	s9 =	sshrl.u32 s8, $0x1  }
0x6: {  	s3 =	sadd.s32 $0x2000, s5;
	s6 =	smul.u32 $0x4E2, s6;
	s31 =	ssub.s32 s8, s9  }
0x7: {  	s8 =	simm.s32 $0x1;
	s9 =	simm.s32 $0x0;
	s7 =	sshrl.u32 s7, $0x3  }
0x8: {  	s5 =	sadd.s32 s6, s5;
	s6 =	smax.u32 s31, $0x1;
	s4 =	sadd.s32 s4, s7  }
0x9: {  	v0 =	vimm.f32 $1.000000000e+00;
	s5 =	sadd.s32 $0x2600, s5;
	s7 =	simm.s32 $0x2800;
	s4 =	sadd.s32 $0xA000, s4  }
.LBB2_1:
0xa: {  	[tilespmem:s7], [sflag:$0x1] =	stream.linear.gather [hbm4b:s3+s2], $0x2800, $0x38;
	[tilespmem:$0x5000] =	vst v63  }
0xb: {  	_ =	swait.ge [sflag:s8], $0x2800  }
0xc: {  	[sflag:s8] =	ssyncset.done $0x0  }
0xd: {  	[sflag:s8] =	ssyncadd.s32 $0xFFFFD800  }
0xe: {  	[tilespmem:s2], [sflag:$0x1] =	stream.linear.gather [hbm4b:s4+s2], $0x2800, $0x38;
	[tilespmem:$0x5000] =	vst v63  }
0xf: {  	_ =	swait.ge [sflag:s8], $0x2800  }
0x10: {  	[sflag:s8] =	ssyncset.done $0x0  }
0x11: {  	s10 =	simm.s32 $0x0;
	[sflag:s8] =	ssyncadd.s32 $0xFFFFD800  }
.LBB2_2:
0x12: {  	s11 =	sshra.s32 s10, $0x2  }
0x13: {  	v1 =	vld [tilespmem:s11+$0x0];
	_ =	sdelay $0x7  }
0x14: {  	[tilespmem:v1+s7+$0x0] =	vst.idx.add.f32.msk $0xffff, v0  }
0x15: {  	v1 =	vld [tilespmem:s11+$0x10];
	_ =	sdelay $0x7  }
0x16: {  	[tilespmem:v1+s7+$0x0] =	vst.idx.add.f32.msk $0xffff, v0  }
0x17: {  	v1 =	vld [tilespmem:s11+$0x20];
	_ =	sdelay $0x7  }
0x18: {  	[tilespmem:v1+s7+$0x0] =	vst.idx.add.f32.msk $0xffff, v0  }
0x19: {  	v1 =	vld [tilespmem:s11+$0x30];
	_ =	sdelay $0x7  }
0x1a: {  	[tilespmem:v1+s7+$0x0] =	vst.idx.add.f32.msk $0xffff, v0  }
0x1b: {  	v1 =	vld [tilespmem:s11+$0x40];
	_ =	sdelay $0x7  }
0x1c: {  	[tilespmem:v1+s7+$0x0] =	vst.idx.add.f32.msk $0xffff, v0  }
0x1d: {  	v1 =	vld [tilespmem:s11+$0x50];
	_ =	sdelay $0x7  }
0x1e: {  	[tilespmem:v1+s7+$0x0] =	vst.idx.add.f32.msk $0xffff, v0  }
0x1f: {  	v1 =	vld [tilespmem:s11+$0x60];
	_ =	sdelay $0x7  }
0x20: {  	[tilespmem:v1+s7+$0x0] =	vst.idx.add.f32.msk $0xffff, v0  }
0x21: {  	v1 =	vld [tilespmem:s11+$0x70];
	_ =	sdelay $0x2  }
0x22: {  	p0 =	sne.s32 s10, $0x9E00  }
.Ltmp0:
0x23: {  	_ = 	snop;
	(pc) =	sbr.rel @p0 .LBB2_2-.Ltmp0, $2  }
0x24: {  	_ =	sdelay $0x2  }
0x25: {  	s10 =	sadd.s32 $0x200, s10;
	[tilespmem:v1+s7+$0x0] =	vst.idx.add.f32.msk $0xffff, v0  }
0x26: {  	s9 =	sadd.s32 $0x1, s9  }
0x27: {  	p0 =	sne.s32 s9, s6  }
.Ltmp1:
0x28: {  	_ = 	snop;
	(pc) =	sbr.rel @p0 .LBB2_1-.Ltmp1, $4  }
0x29: {  	[hbm4b:s5+s2] =	stream.linear.scatter [tilespmem:s7], [sflag:$0x1], $0x2710, $0x38;
	[tilespmem:$0x5000] =	vst v63  }
0x2a: {  	_ =	swait.ge [sflag:s8], $0x2710  }
0x2b: {  	[sflag:s8] =	ssyncset.done $0x0  }
0x2c: {  	[sflag:s8] =	ssyncadd.s32 $0xFFFFD8F0  }
0x2d: {  	_ =	sfence.sel $0x180000  }
0x2e: {  	[bflag:$0x0] =	sbarrier.arrive $0xFFFF  }
0x2f: {  	p0 =	sne.s32 s0, $0x0;
	_ =	strace $0x90000047  }
0x30: {  	s0 =	sadd.s32 @!p0 $0x100000, s1;
	[bflag:$0x2] =	sbarrier.arrive $0xFFFF  }
0x31: {  	[sflag:s0] =	ssyncadd.tile.s32 @!p0 $0x1;
	_ =	shalt  }
.Lfunc_end2:
_tile_overlayer_lowered:
.L_overlay_start_2:
0x32: {  	(tag) =	ssettag $0x2  }
0x33: {  	s0 =	rddreg [dreg:$0x0];
	s2 =	stileid.u32  }
0x34: {  	s1 =	rddreg [dreg:$0x1];
	p0 =	sne.s32 s2, $0x0  }
0x35: {  	s3 =	rddreg [dreg:$0x2];
	[bflag:$0x3] =	sbarrier.arrive $0xFFFF;
	s2 =	simm.s32 @!p0 $0x1C01  }
0x36: {  	[timem:s3], [sflag:s2] =	dma.local @!p0 [hbm:s0], s1  }
0x37: {  	s0 =	simm.s32 @!p0 $0x1  }
0x38: {  	_ =	swait.ge @!p0 [sflag:s0], s1  }
0x39: {  	s1 =	ssub.s32 @!p0 $0x0, s1;
	[sflag:s0] =	ssyncset.done @!p0 $0x0  }
0x3a: {  	[sflag:s0] =	ssyncadd.s32 @!p0 s1  }
0x3b: {  	[bflag:$0x3] =	sbarrier.arrive $0xFFFF  }
0x3c: {  	_ =	shalt  }

</sc_bundles>
